<compile_context>
chip_gen: v7x
topology: tpu7x:2x2x1
jax: 0.10.2.dev20260603
libtpu: 0.0.44.dev20260713+nightly
codegen_flags: <defaults>
</compile_context>

<pallas_src>
import jax
import jax.numpy as jnp
from jax import lax
from jax.experimental import pallas as pl
from jax.experimental.pallas import tpu as pltpu
from jax.experimental.pallas import tpu_sc as plsc

_NUM_EMB = 1000000
_DIM = 64
_BATCH = 4096
_SEQ = 200

_NC = 2
_NS = 16
_NW = _NC * _NS

_TOTAL = _BATCH * _SEQ
_PER_W = _TOTAL // _NW
_CHUNK = 128
_NCHUNK = _PER_W // _CHUNK
_K = 5
_NGROUP = _NCHUNK // _K
_NPAIR = _NGROUP // 2


def _body(idx_hbm, table_hbm, out_hbm, idx_v, rows_a, rows_b,
          sem_ga, sem_gb, sem_sa, sem_sb):
  wid = lax.axis_index("s") * _NC + lax.axis_index("c")
  pltpu.sync_copy(idx_hbm.at[wid], idx_v)

  row0 = wid * _PER_W

  def fire_gathers(g, rows, sem):
    return [
        pltpu.async_copy(table_hbm.at[idx_v.at[g * _K + b]], rows.at[b], sem)
        for b in range(_K)
    ]

  def fire_stores(g, rows, sem):
    for b in range(_K):
      pltpu.async_copy(
          rows.at[b],
          out_hbm.at[pl.ds(row0 + (g * _K + b) * _CHUNK, _CHUNK)], sem)

  def wait_stores(rows, sem):
    for b in range(_K):
      pltpu.make_async_copy(
          rows.at[b], out_hbm.at[pl.ds(row0, _CHUNK)], sem).wait()

  @pl.loop(0, _NPAIR)
  def _pair(i):
    @pl.when(i > 0)
    def _():
      wait_stores(rows_a, sem_sa)
      wait_stores(rows_b, sem_sb)
    ga = fire_gathers(2 * i, rows_a, sem_ga)
    gb = fire_gathers(2 * i + 1, rows_b, sem_gb)
    for cp in ga:
      cp.wait()
    fire_stores(2 * i, rows_a, sem_sa)
    for cp in gb:
      cp.wait()
    fire_stores(2 * i + 1, rows_b, sem_sb)

  wait_stores(rows_a, sem_sa)
  wait_stores(rows_b, sem_sb)


def kernel(x, weight):
  idx = x.astype(jnp.int32).reshape(_NW, _NCHUNK, _CHUNK)
  mesh = plsc.VectorSubcoreMesh(
      core_axis_name="c", subcore_axis_name="s",
      num_cores=_NC, num_subcores=_NS)
  out = pl.kernel(
      _body,
      out_type=jax.ShapeDtypeStruct((_TOTAL, _DIM), jnp.float32),
      mesh=mesh,
      scratch_types=[
          pltpu.VMEM((_NCHUNK, _CHUNK), jnp.int32),
          pltpu.VMEM((_K, _CHUNK, _DIM), jnp.float32),
          pltpu.VMEM((_K, _CHUNK, _DIM), jnp.float32),
          pltpu.SemaphoreType.DMA,
          pltpu.SemaphoreType.DMA,
          pltpu.SemaphoreType.DMA,
          pltpu.SemaphoreType.DMA,
      ],
      compiler_params=pltpu.CompilerParams(use_tc_tiling_on_sc=False),
  )(idx, weight)
  return out.reshape(_BATCH, _SEQ, _DIM)

# --- scband reference (transcript-rebuilt; emitter-appended) ---
"""Pipeline reference for scband-embedding-29051158790351 (READ-ONLY COPY).

The authoritative reference and input builder live on the scoring server;
editing this copy changes nothing except your own understanding.
"""

import jax, jax.numpy as jnp
import numpy as np

NUM_EMBEDDINGS = 1000000
EMBEDDING_DIM = 64
BATCH = 4096
SEQ = 200

def setup_inputs(seed: int = 0) -> dict:
    key = jax.random.key(seed)
    k_idx, k_w = jax.random.split(key)
    x = jax.random.randint(k_idx, (BATCH, SEQ), 0, NUM_EMBEDDINGS, dtype=jnp.int64 if jax.config.jax_enable_x64 else jnp.int32)
    # trunc_normal init (mean=0, std=1, a=-3, b=3) approximated via clipped normal
    weight = jnp.clip(jax.random.normal(k_w, (NUM_EMBEDDINGS, EMBEDDING_DIM), dtype=jnp.float32), -3.0, 3.0)
    return {"x": x, "weight": weight}

def reference(x, weight):
    # weight[x] -> gather rows of embedding table
    return jnp.take(weight, x, axis=0)

if __name__ == "__main__":
    import jax
    _d = setup_inputs()
    print(jax.jit(kernel)(*tuple(_d.values())))

</pallas_src>

<mosaic_0001>
#map = affine_map<(d0, d1) -> (0, 0, 0)>
#map1 = affine_map<(d0, d1) -> (0, 0)>
module attributes {stable_mosaic.version = 14 : i64} {
  func.func @_body(%arg0: i32, %arg1: i32, %arg2: memref<32x200x128xi32, #tpu.memory_space<hbm>>, %arg3: memref<1000000x64xf32, #tpu.memory_space<hbm>>, %arg4: memref<819200x64xf32, #tpu.memory_space<hbm>>, %arg5: memref<200x128xi32, #tpu.memory_space<vmem>>, %arg6: memref<5x128x64xf32, #tpu.memory_space<vmem>>, %arg7: memref<5x128x64xf32, #tpu.memory_space<vmem>>, %arg8: memref<!tpu.dma_semaphore, #tpu.memory_space<semaphore_mem>>, %arg9: memref<!tpu.dma_semaphore, #tpu.memory_space<semaphore_mem>>, %arg10: memref<!tpu.dma_semaphore, #tpu.memory_space<semaphore_mem>>, %arg11: memref<!tpu.dma_semaphore, #tpu.memory_space<semaphore_mem>>) attributes {dimension_semantics = [#tpu.dimension_semantics<core_parallel>, #tpu.dimension_semantics<subcore_parallel>], iteration_bounds = array<i64: 2, 16>, scalar_prefetch = 0 : i64, scratch_operands = 7 : i64, tpu.core_type = #tpu.core_type<sc_vector_subcore>, window_params = [{transform_indices = #map}, {transform_indices = #map1}, {transform_indices = #map1}]} {
    %mul3A = arith.constant 2 : i32
    %mul3A_0 = arith.muli %arg1, %mul3A : i32
    %add3A = arith.addi %mul3A_0, %arg0 : i32
    "tpu.region"() ({
      %run_scoped3A = tpu.sem_alloc : memref<!tpu.dma_semaphore, #tpu.memory_space<semaphore_mem>>
      %dma_start3A = arith.constant 0 : i32
      %dma_start3A_136 = arith.constant 0 : i32
      %dma_start3A_137 = tpu.memref_slice %arg2[%add3A, %dma_start3A, %dma_start3A_136] : memref<32x200x128xi32, #tpu.memory_space<hbm>> -> memref<1x200x128xi32, #tpu.memory_space<hbm>>
      %dma_start3A_138 = tpu.memref_squeeze %dma_start3A_137 : memref<1x200x128xi32, #tpu.memory_space<hbm>> -> memref<200x128xi32, #tpu.memory_space<hbm>>
      %dma_start3A_139 = arith.constant 0 : i32
      %dma_start3A_140 = arith.constant 0 : i32
      %dma_start3A_141 = tpu.memref_slice %arg2[%add3A, %dma_start3A_139, %dma_start3A_140] : memref<32x200x128xi32, #tpu.memory_space<hbm>> -> memref<1x200x128xi32, #tpu.memory_space<hbm>>
      %dma_start3A_142 = tpu.memref_squeeze %dma_start3A_141 : memref<1x200x128xi32, #tpu.memory_space<hbm>> -> memref<200x128xi32, #tpu.memory_space<hbm>>
      tpu.enqueue_dma source(%dma_start3A_142 : memref<200x128xi32, #tpu.memory_space<hbm>>) target(%arg5 : memref<200x128xi32, #tpu.memory_space<vmem>>) target_semaphore(%run_scoped3A : memref<!tpu.dma_semaphore, #tpu.memory_space<semaphore_mem>>)
      %dma_wait3A_143 = arith.constant 0 : i32
      %dma_wait3A_144 = arith.constant 0 : i32
      %dma_wait3A_145 = tpu.memref_slice %arg2[%add3A, %dma_wait3A_143, %dma_wait3A_144] : memref<32x200x128xi32, #tpu.memory_space<hbm>> -> memref<1x200x128xi32, #tpu.memory_space<hbm>>
      %dma_wait3A_146 = tpu.memref_squeeze %dma_wait3A_145 : memref<1x200x128xi32, #tpu.memory_space<hbm>> -> memref<200x128xi32, #tpu.memory_space<hbm>>
      %dma_wait3A_147 = arith.constant 0 : i32
      %dma_wait3A_148 = arith.constant 0 : i32
      %dma_wait3A_149 = tpu.memref_slice %arg2[%add3A, %dma_wait3A_147, %dma_wait3A_148] : memref<32x200x128xi32, #tpu.memory_space<hbm>> -> memref<1x200x128xi32, #tpu.memory_space<hbm>>
      %dma_wait3A_150 = tpu.memref_squeeze %dma_wait3A_149 : memref<1x200x128xi32, #tpu.memory_space<hbm>> -> memref<200x128xi32, #tpu.memory_space<hbm>>
      tpu.wait_dma2 semaphore(%run_scoped3A : memref<!tpu.dma_semaphore, #tpu.memory_space<semaphore_mem>>) src(%dma_wait3A_150 : memref<200x128xi32, #tpu.memory_space<hbm>>) dst(%arg5 : memref<200x128xi32, #tpu.memory_space<vmem>>)
      tpu.yield
    }) : () -> ()
    %mul3A_1 = arith.constant 25600 : i32
    %mul3A_2 = arith.muli %add3A, %mul3A_1 : i32
    %scan3A = arith.constant 0 : i32
    %scan3A_3 = arith.constant 20 : i32
    %scan3A_4 = arith.addi %scan3A, %scan3A_3 : i32
    %scan3A_5 = arith.constant 1 : i32
    scf.for %scan3A_136 = %scan3A to %scan3A_4 step %scan3A_5  : i32 {
      %mul3A_137 = arith.constant 1 : i32
      %mul3A_138 = arith.muli %scan3A_136, %mul3A_137 : i32
      %add3A_139 = arith.constant 0 : i32
      %add3A_140 = arith.addi %add3A_139, %mul3A_138 : i32
      %gt3A = arith.constant 0 : i32
      %gt3A_141 = arith.cmpi sgt, %add3A_140, %gt3A : i32
      %convert_element_type3A = arith.extui %gt3A_141 : i1 to i32
      %cond3A = arith.constant 0 : i32
      %cond3A_142 = arith.cmpi ne, %convert_element_type3A, %cond3A : i32
      scf.if %cond3A_142 {
        %dma_wait3A_614 = arith.constant 0 : i32
        %dma_wait3A_615 = arith.constant 0 : i32
        %dma_wait3A_616 = arith.constant 0 : i32
        %dma_wait3A_617 = tpu.memref_slice %arg6[%dma_wait3A_614, %dma_wait3A_615, %dma_wait3A_616] : memref<5x128x64xf32, #tpu.memory_space<vmem>> -> memref<1x128x64xf32, #tpu.memory_space<vmem>>
        %dma_wait3A_618 = tpu.memref_squeeze %dma_wait3A_617 : memref<1x128x64xf32, #tpu.memory_space<vmem>> -> memref<128x64xf32, #tpu.memory_space<vmem>>
        %dma_wait3A_619 = arith.constant 0 : i32
        %dma_wait3A_620 = tpu.memref_slice %arg4[%mul3A_2, %dma_wait3A_619] : memref<819200x64xf32, #tpu.memory_space<hbm>> -> memref<128x64xf32, #tpu.memory_space<hbm>>
        %dma_wait3A_621 = arith.constant 0 : i32
        %dma_wait3A_622 = tpu.memref_slice %arg4[%mul3A_2, %dma_wait3A_621] : memref<819200x64xf32, #tpu.memory_space<hbm>> -> memref<128x64xf32, #tpu.memory_space<hbm>>
        %dma_wait3A_623 = arith.constant 0 : i32
        %dma_wait3A_624 = arith.constant 0 : i32
        %dma_wait3A_625 = tpu.memref_slice %arg6[%dma_wait3A_614, %dma_wait3A_623, %dma_wait3A_624] : memref<5x128x64xf32, #tpu.memory_space<vmem>> -> memref<1x128x64xf32, #tpu.memory_space<vmem>>
        %dma_wait3A_626 = tpu.memref_squeeze %dma_wait3A_625 : memref<1x128x64xf32, #tpu.memory_space<vmem>> -> memref<128x64xf32, #tpu.memory_space<vmem>>
        tpu.wait_dma2 semaphore(%arg10 : memref<!tpu.dma_semaphore, #tpu.memory_space<semaphore_mem>>) src(%dma_wait3A_626 : memref<128x64xf32, #tpu.memory_space<vmem>>) dst(%dma_wait3A_622 : memref<128x64xf32, #tpu.memory_space<hbm>>)
        %dma_wait3A_627 = arith.constant 1 : i32
        %dma_wait3A_628 = arith.constant 0 : i32
        %dma_wait3A_629 = arith.constant 0 : i32
        %dma_wait3A_630 = tpu.memref_slice %arg6[%dma_wait3A_627, %dma_wait3A_628, %dma_wait3A_629] : memref<5x128x64xf32, #tpu.memory_space<vmem>> -> memref<1x128x64xf32, #tpu.memory_space<vmem>>
        %dma_wait3A_631 = tpu.memref_squeeze %dma_wait3A_630 : memref<1x128x64xf32, #tpu.memory_space<vmem>> -> memref<128x64xf32, #tpu.memory_space<vmem>>
        %dma_wait3A_632 = arith.constant 0 : i32
        %dma_wait3A_633 = tpu.memref_slice %arg4[%mul3A_2, %dma_wait3A_632] : memref<819200x64xf32, #tpu.memory_space<hbm>> -> memref<128x64xf32, #tpu.memory_space<hbm>>
        %dma_wait3A_634 = arith.constant 0 : i32
        %dma_wait3A_635 = tpu.memref_slice %arg4[%mul3A_2, %dma_wait3A_634] : memref<819200x64xf32, #tpu.memory_space<hbm>> -> memref<128x64xf32, #tpu.memory_space<hbm>>
        %dma_wait3A_636 = arith.constant 0 : i32
        %dma_wait3A_637 = arith.constant 0 : i32
        %dma_wait3A_638 = tpu.memref_slice %arg6[%dma_wait3A_627, %dma_wait3A_636, %dma_wait3A_637] : memref<5x128x64xf32, #tpu.memory_space<vmem>> -> memref<1x128x64xf32, #tpu.memory_space<vmem>>
        %dma_wait3A_639 = tpu.memref_squeeze %dma_wait3A_638 : memref<1x128x64xf32, #tpu.memory_space<vmem>> -> memref<128x64xf32, #tpu.memory_space<vmem>>
        tpu.wait_dma2 semaphore(%arg10 : memref<!tpu.dma_semaphore, #tpu.memory_space<semaphore_mem>>) src(%dma_wait3A_639 : memref<128x64xf32, #tpu.memory_space<vmem>>) dst(%dma_wait3A_635 : memref<128x64xf32, #tpu.memory_space<hbm>>)
        %dma_wait3A_640 = arith.constant 2 : i32
        %dma_wait3A_641 = arith.constant 0 : i32
        %dma_wait3A_642 = arith.constant 0 : i32
        %dma_wait3A_643 = tpu.memref_slice %arg6[%dma_wait3A_640, %dma_wait3A_641, %dma_wait3A_642] : memref<5x128x64xf32, #tpu.memory_space<vmem>> -> memref<1x128x64xf32, #tpu.memory_space<vmem>>
        %dma_wait3A_644 = tpu.memref_squeeze %dma_wait3A_643 : memref<1x128x64xf32, #tpu.memory_space<vmem>> -> memref<128x64xf32, #tpu.memory_space<vmem>>
        %dma_wait3A_645 = arith.constant 0 : i32
        %dma_wait3A_646 = tpu.memref_slice %arg4[%mul3A_2, %dma_wait3A_645] : memref<819200x64xf32, #tpu.memory_space<hbm>> -> memref<128x64xf32, #tpu.memory_space<hbm>>
        %dma_wait3A_647 = arith.constant 0 : i32
        %dma_wait3A_648 = tpu.memref_slice %arg4[%mul3A_2, %dma_wait3A_647] : memref<819200x64xf32, #tpu.memory_space<hbm>> -> memref<128x64xf32, #tpu.memory_space<hbm>>
        %dma_wait3A_649 = arith.constant 0 : i32
        %dma_wait3A_650 = arith.constant 0 : i32
        %dma_wait3A_651 = tpu.memref_slice %arg6[%dma_wait3A_640, %dma_wait3A_649, %dma_wait3A_650] : memref<5x128x64xf32, #tpu.memory_space<vmem>> -> memref<1x128x64xf32, #tpu.memory_space<vmem>>
        %dma_wait3A_652 = tpu.memref_squeeze %dma_wait3A_651 : memref<1x128x64xf32, #tpu.memory_space<vmem>> -> memref<128x64xf32, #tpu.memory_space<vmem>>
        tpu.wait_dma2 semaphore(%arg10 : memref<!tpu.dma_semaphore, #tpu.memory_space<semaphore_mem>>) src(%dma_wait3A_652 : memref<128x64xf32, #tpu.memory_space<vmem>>) dst(%dma_wait3A_648 : memref<128x64xf32, #tpu.memory_space<hbm>>)
        %dma_wait3A_653 = arith.constant 3 : i32
        %dma_wait3A_654 = arith.constant 0 : i32
        %dma_wait3A_655 = arith.constant 0 : i32
        %dma_wait3A_656 = tpu.memref_slice %arg6[%dma_wait3A_653, %dma_wait3A_654, %dma_wait3A_655] : memref<5x128x64xf32, #tpu.memory_space<vmem>> -> memref<1x128x64xf32, #tpu.memory_space<vmem>>
        %dma_wait3A_657 = tpu.memref_squeeze %dma_wait3A_656 : memref<1x128x64xf32, #tpu.memory_space<vmem>> -> memref<128x64xf32, #tpu.memory_space<vmem>>
        %dma_wait3A_658 = arith.constant 0 : i32
        %dma_wait3A_659 = tpu.memref_slice %arg4[%mul3A_2, %dma_wait3A_658] : memref<819200x64xf32, #tpu.memory_space<hbm>> -> memref<128x64xf32, #tpu.memory_space<hbm>>
        %dma_wait3A_660 = arith.constant 0 : i32
        %dma_wait3A_661 = tpu.memref_slice %arg4[%mul3A_2, %dma_wait3A_660] : memref<819200x64xf32, #tpu.memory_space<hbm>> -> memref<128x64xf32, #tpu.memory_space<hbm>>
        %dma_wait3A_662 = arith.constant 0 : i32
        %dma_wait3A_663 = arith.constant 0 : i32
        %dma_wait3A_664 = tpu.memref_slice %arg6[%dma_wait3A_653, %dma_wait3A_662, %dma_wait3A_663] : memref<5x128x64xf32, #tpu.memory_space<vmem>> -> memref<1x128x64xf32, #tpu.memory_space<vmem>>
        %dma_wait3A_665 = tpu.memref_squeeze %dma_wait3A_664 : memref<1x128x64xf32, #tpu.memory_space<vmem>> -> memref<128x64xf32, #tpu.memory_space<vmem>>
        tpu.wait_dma2 semaphore(%arg10 : memref<!tpu.dma_semaphore, #tpu.memory_space<semaphore_mem>>) src(%dma_wait3A_665 : memref<128x64xf32, #tpu.memory_space<vmem>>) dst(%dma_wait3A_661 : memref<128x64xf32, #tpu.memory_space<hbm>>)
        %dma_wait3A_666 = arith.constant 4 : i32
        %dma_wait3A_667 = arith.constant 0 : i32
        %dma_wait3A_668 = arith.constant 0 : i32
        %dma_wait3A_669 = tpu.memref_slice %arg6[%dma_wait3A_666, %dma_wait3A_667, %dma_wait3A_668] : memref<5x128x64xf32, #tpu.memory_space<vmem>> -> memref<1x128x64xf32, #tpu.memory_space<vmem>>
        %dma_wait3A_670 = tpu.memref_squeeze %dma_wait3A_669 : memref<1x128x64xf32, #tpu.memory_space<vmem>> -> memref<128x64xf32, #tpu.memory_space<vmem>>
        %dma_wait3A_671 = arith.constant 0 : i32
        %dma_wait3A_672 = tpu.memref_slice %arg4[%mul3A_2, %dma_wait3A_671] : memref<819200x64xf32, #tpu.memory_space<hbm>> -> memref<128x64xf32, #tpu.memory_space<hbm>>
        %dma_wait3A_673 = arith.constant 0 : i32
        %dma_wait3A_674 = tpu.memref_slice %arg4[%mul3A_2, %dma_wait3A_673] : memref<819200x64xf32, #tpu.memory_space<hbm>> -> memref<128x64xf32, #tpu.memory_space<hbm>>
        %dma_wait3A_675 = arith.constant 0 : i32
        %dma_wait3A_676 = arith.constant 0 : i32
        %dma_wait3A_677 = tpu.memref_slice %arg6[%dma_wait3A_666, %dma_wait3A_675, %dma_wait3A_676] : memref<5x128x64xf32, #tpu.memory_space<vmem>> -> memref<1x128x64xf32, #tpu.memory_space<vmem>>
        %dma_wait3A_678 = tpu.memref_squeeze %dma_wait3A_677 : memref<1x128x64xf32, #tpu.memory_space<vmem>> -> memref<128x64xf32, #tpu.memory_space<vmem>>
        tpu.wait_dma2 semaphore(%arg10 : memref<!tpu.dma_semaphore, #tpu.memory_space<semaphore_mem>>) src(%dma_wait3A_678 : memref<128x64xf32, #tpu.memory_space<vmem>>) dst(%dma_wait3A_674 : memref<128x64xf32, #tpu.memory_space<hbm>>)
        %dma_wait3A_679 = arith.constant 0 : i32
        %dma_wait3A_680 = arith.constant 0 : i32
        %dma_wait3A_681 = arith.constant 0 : i32
        %dma_wait3A_682 = tpu.memref_slice %arg7[%dma_wait3A_679, %dma_wait3A_680, %dma_wait3A_681] : memref<5x128x64xf32, #tpu.memory_space<vmem>> -> memref<1x128x64xf32, #tpu.memory_space<vmem>>
        %dma_wait3A_683 = tpu.memref_squeeze %dma_wait3A_682 : memref<1x128x64xf32, #tpu.memory_space<vmem>> -> memref<128x64xf32, #tpu.memory_space<vmem>>
        %dma_wait3A_684 = arith.constant 0 : i32
        %dma_wait3A_685 = tpu.memref_slice %arg4[%mul3A_2, %dma_wait3A_684] : memref<819200x64xf32, #tpu.memory_space<hbm>> -> memref<128x64xf32, #tpu.memory_space<hbm>>
        %dma_wait3A_686 = arith.constant 0 : i32
        %dma_wait3A_687 = tpu.memref_slice %arg4[%mul3A_2, %dma_wait3A_686] : memref<819200x64xf32, #tpu.memory_space<hbm>> -> memref<128x64xf32, #tpu.memory_space<hbm>>
        %dma_wait3A_688 = arith.constant 0 : i32
        %dma_wait3A_689 = arith.constant 0 : i32
        %dma_wait3A_690 = tpu.memref_slice %arg7[%dma_wait3A_679, %dma_wait3A_688, %dma_wait3A_689] : memref<5x128x64xf32, #tpu.memory_space<vmem>> -> memref<1x128x64xf32, #tpu.memory_space<vmem>>
        %dma_wait3A_691 = tpu.memref_squeeze %dma_wait3A_690 : memref<1x128x64xf32, #tpu.memory_space<vmem>> -> memref<128x64xf32, #tpu.memory_space<vmem>>
        tpu.wait_dma2 semaphore(%arg11 : memref<!tpu.dma_semaphore, #tpu.memory_space<semaphore_mem>>) src(%dma_wait3A_691 : memref<128x64xf32, #tpu.memory_space<vmem>>) dst(%dma_wait3A_687 : memref<128x64xf32, #tpu.memory_space<hbm>>)
        %dma_wait3A_692 = arith.constant 1 : i32
        %dma_wait3A_693 = arith.constant 0 : i32
        %dma_wait3A_694 = arith.constant 0 : i32
        %dma_wait3A_695 = tpu.memref_slice %arg7[%dma_wait3A_692, %dma_wait3A_693, %dma_wait3A_694] : memref<5x128x64xf32, #tpu.memory_space<vmem>> -> memref<1x128x64xf32, #tpu.memory_space<vmem>>
        %dma_wait3A_696 = tpu.memref_squeeze %dma_wait3A_695 : memref<1x128x64xf32, #tpu.memory_space<vmem>> -> memref<128x64xf32, #tpu.memory_space<vmem>>
        %dma_wait3A_697 = arith.constant 0 : i32
        %dma_wait3A_698 = tpu.memref_slice %arg4[%mul3A_2, %dma_wait3A_697] : memref<819200x64xf32, #tpu.memory_space<hbm>> -> memref<128x64xf32, #tpu.memory_space<hbm>>
        %dma_wait3A_699 = arith.constant 0 : i32
        %dma_wait3A_700 = tpu.memref_slice %arg4[%mul3A_2, %dma_wait3A_699] : memref<819200x64xf32, #tpu.memory_space<hbm>> -> memref<128x64xf32, #tpu.memory_space<hbm>>
        %dma_wait3A_701 = arith.constant 0 : i32
        %dma_wait3A_702 = arith.constant 0 : i32
        %dma_wait3A_703 = tpu.memref_slice %arg7[%dma_wait3A_692, %dma_wait3A_701, %dma_wait3A_702] : memref<5x128x64xf32, #tpu.memory_space<vmem>> -> memref<1x128x64xf32, #tpu.memory_space<vmem>>
        %dma_wait3A_704 = tpu.memref_squeeze %dma_wait3A_703 : memref<1x128x64xf32, #tpu.memory_space<vmem>> -> memref<128x64xf32, #tpu.memory_space<vmem>>
        tpu.wait_dma2 semaphore(%arg11 : memref<!tpu.dma_semaphore, #tpu.memory_space<semaphore_mem>>) src(%dma_wait3A_704 : memref<128x64xf32, #tpu.memory_space<vmem>>) dst(%dma_wait3A_700 : memref<128x64xf32, #tpu.memory_space<hbm>>)
        %dma_wait3A_705 = arith.constant 2 : i32
        %dma_wait3A_706 = arith.constant 0 : i32
        %dma_wait3A_707 = arith.constant 0 : i32
        %dma_wait3A_708 = tpu.memref_slice %arg7[%dma_wait3A_705, %dma_wait3A_706, %dma_wait3A_707] : memref<5x128x64xf32, #tpu.memory_space<vmem>> -> memref<1x128x64xf32, #tpu.memory_space<vmem>>
        %dma_wait3A_709 = tpu.memref_squeeze %dma_wait3A_708 : memref<1x128x64xf32, #tpu.memory_space<vmem>> -> memref<128x64xf32, #tpu.memory_space<vmem>>
        %dma_wait3A_710 = arith.constant 0 : i32
        %dma_wait3A_711 = tpu.memref_slice %arg4[%mul3A_2, %dma_wait3A_710] : memref<819200x64xf32, #tpu.memory_space<hbm>> -> memref<128x64xf32, #tpu.memory_space<hbm>>
        %dma_wait3A_712 = arith.constant 0 : i32
        %dma_wait3A_713 = tpu.memref_slice %arg4[%mul3A_2, %dma_wait3A_712] : memref<819200x64xf32, #tpu.memory_space<hbm>> -> memref<128x64xf32, #tpu.memory_space<hbm>>
        %dma_wait3A_714 = arith.constant 0 : i32
        %dma_wait3A_715 = arith.constant 0 : i32
        %dma_wait3A_716 = tpu.memref_slice %arg7[%dma_wait3A_705, %dma_wait3A_714, %dma_wait3A_715] : memref<5x128x64xf32, #tpu.memory_space<vmem>> -> memref<1x128x64xf32, #tpu.memory_space<vmem>>
        %dma_wait3A_717 = tpu.memref_squeeze %dma_wait3A_716 : memref<1x128x64xf32, #tpu.memory_space<vmem>> -> memref<128x64xf32, #tpu.memory_space<vmem>>
        tpu.wait_dma2 semaphore(%arg11 : memref<!tpu.dma_semaphore, #tpu.memory_space<semaphore_mem>>) src(%dma_wait3A_717 : memref<128x64xf32, #tpu.memory_space<vmem>>) dst(%dma_wait3A_713 : memref<128x64xf32, #tpu.memory_space<hbm>>)
        %dma_wait3A_718 = arith.constant 3 : i32
        %dma_wait3A_719 = arith.constant 0 : i32
        %dma_wait3A_720 = arith.constant 0 : i32
        %dma_wait3A_721 = tpu.memref_slice %arg7[%dma_wait3A_718, %dma_wait3A_719, %dma_wait3A_720] : memref<5x128x64xf32, #tpu.memory_space<vmem>> -> memref<1x128x64xf32, #tpu.memory_space<vmem>>
        %dma_wait3A_722 = tpu.memref_squeeze %dma_wait3A_721 : memref<1x128x64xf32, #tpu.memory_space<vmem>> -> memref<128x64xf32, #tpu.memory_space<vmem>>
        %dma_wait3A_723 = arith.constant 0 : i32
        %dma_wait3A_724 = tpu.memref_slice %arg4[%mul3A_2, %dma_wait3A_723] : memref<819200x64xf32, #tpu.memory_space<hbm>> -> memref<128x64xf32, #tpu.memory_space<hbm>>
        %dma_wait3A_725 = arith.constant 0 : i32
        %dma_wait3A_726 = tpu.memref_slice %arg4[%mul3A_2, %dma_wait3A_725] : memref<819200x64xf32, #tpu.memory_space<hbm>> -> memref<128x64xf32, #tpu.memory_space<hbm>>
        %dma_wait3A_727 = arith.constant 0 : i32
        %dma_wait3A_728 = arith.constant 0 : i32
        %dma_wait3A_729 = tpu.memref_slice %arg7[%dma_wait3A_718, %dma_wait3A_727, %dma_wait3A_728] : memref<5x128x64xf32, #tpu.memory_space<vmem>> -> memref<1x128x64xf32, #tpu.memory_space<vmem>>
        %dma_wait3A_730 = tpu.memref_squeeze %dma_wait3A_729 : memref<1x128x64xf32, #tpu.memory_space<vmem>> -> memref<128x64xf32, #tpu.memory_space<vmem>>
        tpu.wait_dma2 semaphore(%arg11 : memref<!tpu.dma_semaphore, #tpu.memory_space<semaphore_mem>>) src(%dma_wait3A_730 : memref<128x64xf32, #tpu.memory_space<vmem>>) dst(%dma_wait3A_726 : memref<128x64xf32, #tpu.memory_space<hbm>>)
        %dma_wait3A_731 = arith.constant 4 : i32
        %dma_wait3A_732 = arith.constant 0 : i32
        %dma_wait3A_733 = arith.constant 0 : i32
        %dma_wait3A_734 = tpu.memref_slice %arg7[%dma_wait3A_731, %dma_wait3A_732, %dma_wait3A_733] : memref<5x128x64xf32, #tpu.memory_space<vmem>> -> memref<1x128x64xf32, #tpu.memory_space<vmem>>
        %dma_wait3A_735 = tpu.memref_squeeze %dma_wait3A_734 : memref<1x128x64xf32, #tpu.memory_space<vmem>> -> memref<128x64xf32, #tpu.memory_space<vmem>>
        %dma_wait3A_736 = arith.constant 0 : i32
        %dma_wait3A_737 = tpu.memref_slice %arg4[%mul3A_2, %dma_wait3A_736] : memref<819200x64xf32, #tpu.memory_space<hbm>> -> memref<128x64xf32, #tpu.memory_space<hbm>>
        %dma_wait3A_738 = arith.constant 0 : i32
        %dma_wait3A_739 = tpu.memref_slice %arg4[%mul3A_2, %dma_wait3A_738] : memref<819200x64xf32, #tpu.memory_space<hbm>> -> memref<128x64xf32, #tpu.memory_space<hbm>>
        %dma_wait3A_740 = arith.constant 0 : i32
        %dma_wait3A_741 = arith.constant 0 : i32
        %dma_wait3A_742 = tpu.memref_slice %arg7[%dma_wait3A_731, %dma_wait3A_740, %dma_wait3A_741] : memref<5x128x64xf32, #tpu.memory_space<vmem>> -> memref<1x128x64xf32, #tpu.memory_space<vmem>>
        %dma_wait3A_743 = tpu.memref_squeeze %dma_wait3A_742 : memref<1x128x64xf32, #tpu.memory_space<vmem>> -> memref<128x64xf32, #tpu.memory_space<vmem>>
        tpu.wait_dma2 semaphore(%arg11 : memref<!tpu.dma_semaphore, #tpu.memory_space<semaphore_mem>>) src(%dma_wait3A_743 : memref<128x64xf32, #tpu.memory_space<vmem>>) dst(%dma_wait3A_739 : memref<128x64xf32, #tpu.memory_space<hbm>>)
      } else {
      }
      %mul3A_143 = arith.constant 2 : i32
      %mul3A_144 = arith.muli %mul3A_143, %add3A_140 : i32
      %mul3A_145 = arith.constant 5 : i32
      %mul3A_146 = arith.muli %mul3A_144, %mul3A_145 : i32
      %add3A_147 = arith.constant 0 : i32
      %add3A_148 = arith.addi %mul3A_146, %add3A_147 : i32
      %dma_start3A = arith.constant 0 : i32
      %dma_start3A_149 = arith.constant 0 : i32
      %dma_start3A_150 = arith.constant 0 : i32
      %dma_start3A_151 = tpu.memref_slice %arg6[%dma_start3A, %dma_start3A_149, %dma_start3A_150] : memref<5x128x64xf32, #tpu.memory_space<vmem>> -> memref<1x128x64xf32, #tpu.memory_space<vmem>>
      %dma_start3A_152 = tpu.memref_squeeze %dma_start3A_151 : memref<1x128x64xf32, #tpu.memory_space<vmem>> -> memref<128x64xf32, #tpu.memory_space<vmem>>
      %dma_start3A_153 = arith.constant 0 : i32
      %dma_start3A_154 = tpu.memref_slice %arg5[%add3A_148, %dma_start3A_153] : memref<200x128xi32, #tpu.memory_space<vmem>> -> memref<1x128xi32, #tpu.memory_space<vmem>>
      %dma_start3A_155 = tpu.memref_squeeze %dma_start3A_154 : memref<1x128xi32, #tpu.memory_space<vmem>> -> memref<128xi32, #tpu.memory_space<vmem>>
      %dma_start3A_156 = arith.constant 0 : i32
      %dma_start3A_157 = arith.constant 0 : i32
      %dma_start3A_158 = tpu.memref_slice %arg3[%dma_start3A_156, %dma_start3A_157] : memref<1000000x64xf32, #tpu.memory_space<hbm>> -> memref<1000000x64xf32, #tpu.memory_space<hbm>>
      tpu.enqueue_indirect_dma source(%dma_start3A_158 : memref<1000000x64xf32, #tpu.memory_space<hbm>>) target(%dma_start3A_152 : memref<128x64xf32, #tpu.memory_space<vmem>>) offsets(%dma_start3A_155 : memref<128xi32, #tpu.memory_space<vmem>>) semaphore(%arg8 : memref<!tpu.dma_semaphore, #tpu.memory_space<semaphore_mem>>)
      %mul3A_159 = arith.constant 5 : i32
      %mul3A_160 = arith.muli %mul3A_144, %mul3A_159 : i32
      %add3A_161 = arith.constant 1 : i32
      %add3A_162 = arith.addi %mul3A_160, %add3A_161 : i32
      %dma_start3A_163 = arith.constant 1 : i32
      %dma_start3A_164 = arith.constant 0 : i32
      %dma_start3A_165 = arith.constant 0 : i32
      %dma_start3A_166 = tpu.memref_slice %arg6[%dma_start3A_163, %dma_start3A_164, %dma_start3A_165] : memref<5x128x64xf32, #tpu.memory_space<vmem>> -> memref<1x128x64xf32, #tpu.memory_space<vmem>>
      %dma_start3A_167 = tpu.memref_squeeze %dma_start3A_166 : memref<1x128x64xf32, #tpu.memory_space<vmem>> -> memref<128x64xf32, #tpu.memory_space<vmem>>
      %dma_start3A_168 = arith.constant 0 : i32
      %dma_start3A_169 = tpu.memref_slice %arg5[%add3A_162, %dma_start3A_168] : memref<200x128xi32, #tpu.memory_space<vmem>> -> memref<1x128xi32, #tpu.memory_space<vmem>>
      %dma_start3A_170 = tpu.memref_squeeze %dma_start3A_169 : memref<1x128xi32, #tpu.memory_space<vmem>> -> memref<128xi32, #tpu.memory_space<vmem>>
      %dma_start3A_171 = arith.constant 0 : i32
      %dma_start3A_172 = arith.constant 0 : i32
      %dma_start3A_173 = tpu.memref_slice %arg3[%dma_start3A_171, %dma_start3A_172] : memref<1000000x64xf32, #tpu.memory_space<hbm>> -> memref<1000000x64xf32, #tpu.memory_space<hbm>>
      tpu.enqueue_indirect_dma source(%dma_start3A_173 : memref<1000000x64xf32, #tpu.memory_space<hbm>>) target(%dma_start3A_167 : memref<128x64xf32, #tpu.memory_space<vmem>>) offsets(%dma_start3A_170 : memref<128xi32, #tpu.memory_space<vmem>>) semaphore(%arg8 : memref<!tpu.dma_semaphore, #tpu.memory_space<semaphore_mem>>)
      %mul3A_174 = arith.constant 5 : i32
      %mul3A_175 = arith.muli %mul3A_144, %mul3A_174 : i32
      %add3A_176 = arith.constant 2 : i32
      %add3A_177 = arith.addi %mul3A_175, %add3A_176 : i32
      %dma_start3A_178 = arith.constant 2 : i32
      %dma_start3A_179 = arith.constant 0 : i32
      %dma_start3A_180 = arith.constant 0 : i32
      %dma_start3A_181 = tpu.memref_slice %arg6[%dma_start3A_178, %dma_start3A_179, %dma_start3A_180] : memref<5x128x64xf32, #tpu.memory_space<vmem>> -> memref<1x128x64xf32, #tpu.memory_space<vmem>>
      %dma_start3A_182 = tpu.memref_squeeze %dma_start3A_181 : memref<1x128x64xf32, #tpu.memory_space<vmem>> -> memref<128x64xf32, #tpu.memory_space<vmem>>
      %dma_start3A_183 = arith.constant 0 : i32
      %dma_start3A_184 = tpu.memref_slice %arg5[%add3A_177, %dma_start3A_183] : memref<200x128xi32, #tpu.memory_space<vmem>> -> memref<1x128xi32, #tpu.memory_space<vmem>>
      %dma_start3A_185 = tpu.memref_squeeze %dma_start3A_184 : memref<1x128xi32, #tpu.memory_space<vmem>> -> memref<128xi32, #tpu.memory_space<vmem>>
      %dma_start3A_186 = arith.constant 0 : i32
      %dma_start3A_187 = arith.constant 0 : i32
      %dma_start3A_188 = tpu.memref_slice %arg3[%dma_start3A_186, %dma_start3A_187] : memref<1000000x64xf32, #tpu.memory_space<hbm>> -> memref<1000000x64xf32, #tpu.memory_space<hbm>>
      tpu.enqueue_indirect_dma source(%dma_start3A_188 : memref<1000000x64xf32, #tpu.memory_space<hbm>>) target(%dma_start3A_182 : memref<128x64xf32, #tpu.memory_space<vmem>>) offsets(%dma_start3A_185 : memref<128xi32, #tpu.memory_space<vmem>>) semaphore(%arg8 : memref<!tpu.dma_semaphore, #tpu.memory_space<semaphore_mem>>)
      %mul3A_189 = arith.constant 5 : i32
      %mul3A_190 = arith.muli %mul3A_144, %mul3A_189 : i32
      %add3A_191 = arith.constant 3 : i32
      %add3A_192 = arith.addi %mul3A_190, %add3A_191 : i32
      %dma_start3A_193 = arith.constant 3 : i32
      %dma_start3A_194 = arith.constant 0 : i32
      %dma_start3A_195 = arith.constant 0 : i32
      %dma_start3A_196 = tpu.memref_slice %arg6[%dma_start3A_193, %dma_start3A_194, %dma_start3A_195] : memref<5x128x64xf32, #tpu.memory_space<vmem>> -> memref<1x128x64xf32, #tpu.memory_space<vmem>>
      %dma_start3A_197 = tpu.memref_squeeze %dma_start3A_196 : memref<1x128x64xf32, #tpu.memory_space<vmem>> -> memref<128x64xf32, #tpu.memory_space<vmem>>
      %dma_start3A_198 = arith.constant 0 : i32
      %dma_start3A_199 = tpu.memref_slice %arg5[%add3A_192, %dma_start3A_198] : memref<200x128xi32, #tpu.memory_space<vmem>> -> memref<1x128xi32, #tpu.memory_space<vmem>>
      %dma_start3A_200 = tpu.memref_squeeze %dma_start3A_199 : memref<1x128xi32, #tpu.memory_space<vmem>> -> memref<128xi32, #tpu.memory_space<vmem>>
      %dma_start3A_201 = arith.constant 0 : i32
      %dma_start3A_202 = arith.constant 0 : i32
      %dma_start3A_203 = tpu.memref_slice %arg3[%dma_start3A_201, %dma_start3A_202] : memref<1000000x64xf32, #tpu.memory_space<hbm>> -> memref<1000000x64xf32, #tpu.memory_space<hbm>>
      tpu.enqueue_indirect_dma source(%dma_start3A_203 : memref<1000000x64xf32, #tpu.memory_space<hbm>>) target(%dma_start3A_197 : memref<128x64xf32, #tpu.memory_space<vmem>>) offsets(%dma_start3A_200 : memref<128xi32, #tpu.memory_space<vmem>>) semaphore(%arg8 : memref<!tpu.dma_semaphore, #tpu.memory_space<semaphore_mem>>)
      %mul3A_204 = arith.constant 5 : i32
      %mul3A_205 = arith.muli %mul3A_144, %mul3A_204 : i32
      %add3A_206 = arith.constant 4 : i32
      %add3A_207 = arith.addi %mul3A_205, %add3A_206 : i32
      %dma_start3A_208 = arith.constant 4 : i32
      %dma_start3A_209 = arith.constant 0 : i32
      %dma_start3A_210 = arith.constant 0 : i32
      %dma_start3A_211 = tpu.memref_slice %arg6[%dma_start3A_208, %dma_start3A_209, %dma_start3A_210] : memref<5x128x64xf32, #tpu.memory_space<vmem>> -> memref<1x128x64xf32, #tpu.memory_space<vmem>>
      %dma_start3A_212 = tpu.memref_squeeze %dma_start3A_211 : memref<1x128x64xf32, #tpu.memory_space<vmem>> -> memref<128x64xf32, #tpu.memory_space<vmem>>
      %dma_start3A_213 = arith.constant 0 : i32
      %dma_start3A_214 = tpu.memref_slice %arg5[%add3A_207, %dma_start3A_213] : memref<200x128xi32, #tpu.memory_space<vmem>> -> memref<1x128xi32, #tpu.memory_space<vmem>>
      %dma_start3A_215 = tpu.memref_squeeze %dma_start3A_214 : memref<1x128xi32, #tpu.memory_space<vmem>> -> memref<128xi32, #tpu.memory_space<vmem>>
      %dma_start3A_216 = arith.constant 0 : i32
      %dma_start3A_217 = arith.constant 0 : i32
      %dma_start3A_218 = tpu.memref_slice %arg3[%dma_start3A_216, %dma_start3A_217] : memref<1000000x64xf32, #tpu.memory_space<hbm>> -> memref<1000000x64xf32, #tpu.memory_space<hbm>>
      tpu.enqueue_indirect_dma source(%dma_start3A_218 : memref<1000000x64xf32, #tpu.memory_space<hbm>>) target(%dma_start3A_212 : memref<128x64xf32, #tpu.memory_space<vmem>>) offsets(%dma_start3A_215 : memref<128xi32, #tpu.memory_space<vmem>>) semaphore(%arg8 : memref<!tpu.dma_semaphore, #tpu.memory_space<semaphore_mem>>)
      %mul3A_219 = arith.constant 2 : i32
      %mul3A_220 = arith.muli %mul3A_219, %add3A_140 : i32
      %add3A_221 = arith.constant 1 : i32
      %add3A_222 = arith.addi %mul3A_220, %add3A_221 : i32
      %mul3A_223 = arith.constant 5 : i32
      %mul3A_224 = arith.muli %add3A_222, %mul3A_223 : i32
      %add3A_225 = arith.constant 0 : i32
      %add3A_226 = arith.addi %mul3A_224, %add3A_225 : i32
      %dma_start3A_227 = arith.constant 0 : i32
      %dma_start3A_228 = arith.constant 0 : i32
      %dma_start3A_229 = arith.constant 0 : i32
      %dma_start3A_230 = tpu.memref_slice %arg7[%dma_start3A_227, %dma_start3A_228, %dma_start3A_229] : memref<5x128x64xf32, #tpu.memory_space<vmem>> -> memref<1x128x64xf32, #tpu.memory_space<vmem>>
      %dma_start3A_231 = tpu.memref_squeeze %dma_start3A_230 : memref<1x128x64xf32, #tpu.memory_space<vmem>> -> memref<128x64xf32, #tpu.memory_space<vmem>>
      %dma_start3A_232 = arith.constant 0 : i32
      %dma_start3A_233 = tpu.memref_slice %arg5[%add3A_226, %dma_start3A_232] : memref<200x128xi32, #tpu.memory_space<vmem>> -> memref<1x128xi32, #tpu.memory_space<vmem>>
      %dma_start3A_234 = tpu.memref_squeeze %dma_start3A_233 : memref<1x128xi32, #tpu.memory_space<vmem>> -> memref<128xi32, #tpu.memory_space<vmem>>
      %dma_start3A_235 = arith.constant 0 : i32
      %dma_start3A_236 = arith.constant 0 : i32
      %dma_start3A_237 = tpu.memref_slice %arg3[%dma_start3A_235, %dma_start3A_236] : memref<1000000x64xf32, #tpu.memory_space<hbm>> -> memref<1000000x64xf32, #tpu.memory_space<hbm>>
      tpu.enqueue_indirect_dma source(%dma_start3A_237 : memref<1000000x64xf32, #tpu.memory_space<hbm>>) target(%dma_start3A_231 : memref<128x64xf32, #tpu.memory_space<vmem>>) offsets(%dma_start3A_234 : memref<128xi32, #tpu.memory_space<vmem>>) semaphore(%arg9 : memref<!tpu.dma_semaphore, #tpu.memory_space<semaphore_mem>>)
      %mul3A_238 = arith.constant 5 : i32
      %mul3A_239 = arith.muli %add3A_222, %mul3A_238 : i32
      %add3A_240 = arith.constant 1 : i32
      %add3A_241 = arith.addi %mul3A_239, %add3A_240 : i32
      %dma_start3A_242 = arith.constant 1 : i32
      %dma_start3A_243 = arith.constant 0 : i32
      %dma_start3A_244 = arith.constant 0 : i32
      %dma_start3A_245 = tpu.memref_slice %arg7[%dma_start3A_242, %dma_start3A_243, %dma_start3A_244] : memref<5x128x64xf32, #tpu.memory_space<vmem>> -> memref<1x128x64xf32, #tpu.memory_space<vmem>>
      %dma_start3A_246 = tpu.memref_squeeze %dma_start3A_245 : memref<1x128x64xf32, #tpu.memory_space<vmem>> -> memref<128x64xf32, #tpu.memory_space<vmem>>
      %dma_start3A_247 = arith.constant 0 : i32
      %dma_start3A_248 = tpu.memref_slice %arg5[%add3A_241, %dma_start3A_247] : memref<200x128xi32, #tpu.memory_space<vmem>> -> memref<1x128xi32, #tpu.memory_space<vmem>>
      %dma_start3A_249 = tpu.memref_squeeze %dma_start3A_248 : memref<1x128xi32, #tpu.memory_space<vmem>> -> memref<128xi32, #tpu.memory_space<vmem>>
      %dma_start3A_250 = arith.constant 0 : i32
      %dma_start3A_251 = arith.constant 0 : i32
      %dma_start3A_252 = tpu.memref_slice %arg3[%dma_start3A_250, %dma_start3A_251] : memref<1000000x64xf32, #tpu.memory_space<hbm>> -> memref<1000000x64xf32, #tpu.memory_space<hbm>>
      tpu.enqueue_indirect_dma source(%dma_start3A_252 : memref<1000000x64xf32, #tpu.memory_space<hbm>>) target(%dma_start3A_246 : memref<128x64xf32, #tpu.memory_space<vmem>>) offsets(%dma_start3A_249 : memref<128xi32, #tpu.memory_space<vmem>>) semaphore(%arg9 : memref<!tpu.dma_semaphore, #tpu.memory_space<semaphore_mem>>)
      %mul3A_253 = arith.constant 5 : i32
      %mul3A_254 = arith.muli %add3A_222, %mul3A_253 : i32
      %add3A_255 = arith.constant 2 : i32
      %add3A_256 = arith.addi %mul3A_254, %add3A_255 : i32
      %dma_start3A_257 = arith.constant 2 : i32
      %dma_start3A_258 = arith.constant 0 : i32
      %dma_start3A_259 = arith.constant 0 : i32
      %dma_start3A_260 = tpu.memref_slice %arg7[%dma_start3A_257, %dma_start3A_258, %dma_start3A_259] : memref<5x128x64xf32, #tpu.memory_space<vmem>> -> memref<1x128x64xf32, #tpu.memory_space<vmem>>
      %dma_start3A_261 = tpu.memref_squeeze %dma_start3A_260 : memref<1x128x64xf32, #tpu.memory_space<vmem>> -> memref<128x64xf32, #tpu.memory_space<vmem>>
      %dma_start3A_262 = arith.constant 0 : i32
      %dma_start3A_263 = tpu.memref_slice %arg5[%add3A_256, %dma_start3A_262] : memref<200x128xi32, #tpu.memory_space<vmem>> -> memref<1x128xi32, #tpu.memory_space<vmem>>
      %dma_start3A_264 = tpu.memref_squeeze %dma_start3A_263 : memref<1x128xi32, #tpu.memory_space<vmem>> -> memref<128xi32, #tpu.memory_space<vmem>>
      %dma_start3A_265 = arith.constant 0 : i32
      %dma_start3A_266 = arith.constant 0 : i32
      %dma_start3A_267 = tpu.memref_slice %arg3[%dma_start3A_265, %dma_start3A_266] : memref<1000000x64xf32, #tpu.memory_space<hbm>> -> memref<1000000x64xf32, #tpu.memory_space<hbm>>
      tpu.enqueue_indirect_dma source(%dma_start3A_267 : memref<1000000x64xf32, #tpu.memory_space<hbm>>) target(%dma_start3A_261 : memref<128x64xf32, #tpu.memory_space<vmem>>) offsets(%dma_start3A_264 : memref<128xi32, #tpu.memory_space<vmem>>) semaphore(%arg9 : memref<!tpu.dma_semaphore, #tpu.memory_space<semaphore_mem>>)
      %mul3A_268 = arith.constant 5 : i32
      %mul3A_269 = arith.muli %add3A_222, %mul3A_268 : i32
      %add3A_270 = arith.constant 3 : i32
      %add3A_271 = arith.addi %mul3A_269, %add3A_270 : i32
      %dma_start3A_272 = arith.constant 3 : i32
      %dma_start3A_273 = arith.constant 0 : i32
      %dma_start3A_274 = arith.constant 0 : i32
      %dma_start3A_275 = tpu.memref_slice %arg7[%dma_start3A_272, %dma_start3A_273, %dma_start3A_274] : memref<5x128x64xf32, #tpu.memory_space<vmem>> -> memref<1x128x64xf32, #tpu.memory_space<vmem>>
      %dma_start3A_276 = tpu.memref_squeeze %dma_start3A_275 : memref<1x128x64xf32, #tpu.memory_space<vmem>> -> memref<128x64xf32, #tpu.memory_space<vmem>>
      %dma_start3A_277 = arith.constant 0 : i32
      %dma_start3A_278 = tpu.memref_slice %arg5[%add3A_271, %dma_start3A_277] : memref<200x128xi32, #tpu.memory_space<vmem>> -> memref<1x128xi32, #tpu.memory_space<vmem>>
      %dma_start3A_279 = tpu.memref_squeeze %dma_start3A_278 : memref<1x128xi32, #tpu.memory_space<vmem>> -> memref<128xi32, #tpu.memory_space<vmem>>
      %dma_start3A_280 = arith.constant 0 : i32
      %dma_start3A_281 = arith.constant 0 : i32
      %dma_start3A_282 = tpu.memref_slice %arg3[%dma_start3A_280, %dma_start3A_281] : memref<1000000x64xf32, #tpu.memory_space<hbm>> -> memref<1000000x64xf32, #tpu.memory_space<hbm>>
      tpu.enqueue_indirect_dma source(%dma_start3A_282 : memref<1000000x64xf32, #tpu.memory_space<hbm>>) target(%dma_start3A_276 : memref<128x64xf32, #tpu.memory_space<vmem>>) offsets(%dma_start3A_279 : memref<128xi32, #tpu.memory_space<vmem>>) semaphore(%arg9 : memref<!tpu.dma_semaphore, #tpu.memory_space<semaphore_mem>>)
      %mul3A_283 = arith.constant 5 : i32
      %mul3A_284 = arith.muli %add3A_222, %mul3A_283 : i32
      %add3A_285 = arith.constant 4 : i32
      %add3A_286 = arith.addi %mul3A_284, %add3A_285 : i32
      %dma_start3A_287 = arith.constant 4 : i32
      %dma_start3A_288 = arith.constant 0 : i32
      %dma_start3A_289 = arith.constant 0 : i32
      %dma_start3A_290 = tpu.memref_slice %arg7[%dma_start3A_287, %dma_start3A_288, %dma_start3A_289] : memref<5x128x64xf32, #tpu.memory_space<vmem>> -> memref<1x128x64xf32, #tpu.memory_space<vmem>>
      %dma_start3A_291 = tpu.memref_squeeze %dma_start3A_290 : memref<1x128x64xf32, #tpu.memory_space<vmem>> -> memref<128x64xf32, #tpu.memory_space<vmem>>
      %dma_start3A_292 = arith.constant 0 : i32
      %dma_start3A_293 = tpu.memref_slice %arg5[%add3A_286, %dma_start3A_292] : memref<200x128xi32, #tpu.memory_space<vmem>> -> memref<1x128xi32, #tpu.memory_space<vmem>>
      %dma_start3A_294 = tpu.memref_squeeze %dma_start3A_293 : memref<1x128xi32, #tpu.memory_space<vmem>> -> memref<128xi32, #tpu.memory_space<vmem>>
      %dma_start3A_295 = arith.constant 0 : i32
      %dma_start3A_296 = arith.constant 0 : i32
      %dma_start3A_297 = tpu.memref_slice %arg3[%dma_start3A_295, %dma_start3A_296] : memref<1000000x64xf32, #tpu.memory_space<hbm>> -> memref<1000000x64xf32, #tpu.memory_space<hbm>>
      tpu.enqueue_indirect_dma source(%dma_start3A_297 : memref<1000000x64xf32, #tpu.memory_space<hbm>>) target(%dma_start3A_291 : memref<128x64xf32, #tpu.memory_space<vmem>>) offsets(%dma_start3A_294 : memref<128xi32, #tpu.memory_space<vmem>>) semaphore(%arg9 : memref<!tpu.dma_semaphore, #tpu.memory_space<semaphore_mem>>)
      %dma_wait3A_298 = arith.constant 0 : i32
      %dma_wait3A_299 = arith.constant 0 : i32
      %dma_wait3A_300 = arith.constant 0 : i32
      %dma_wait3A_301 = tpu.memref_slice %arg6[%dma_wait3A_298, %dma_wait3A_299, %dma_wait3A_300] : memref<5x128x64xf32, #tpu.memory_space<vmem>> -> memref<1x128x64xf32, #tpu.memory_space<vmem>>
      %dma_wait3A_302 = tpu.memref_squeeze %dma_wait3A_301 : memref<1x128x64xf32, #tpu.memory_space<vmem>> -> memref<128x64xf32, #tpu.memory_space<vmem>>
      %dma_wait3A_303 = arith.constant 0 : i32
      %dma_wait3A_304 = tpu.memref_slice %arg5[%add3A_148, %dma_wait3A_303] : memref<200x128xi32, #tpu.memory_space<vmem>> -> memref<1x128xi32, #tpu.memory_space<vmem>>
      %dma_wait3A_305 = tpu.memref_squeeze %dma_wait3A_304 : memref<1x128xi32, #tpu.memory_space<vmem>> -> memref<128xi32, #tpu.memory_space<vmem>>
      %dma_wait3A_306 = arith.constant 0 : i32
      %dma_wait3A_307 = arith.constant 0 : i32
      %dma_wait3A_308 = tpu.memref_slice %arg3[%dma_wait3A_306, %dma_wait3A_307] : memref<1000000x64xf32, #tpu.memory_space<hbm>> -> memref<1000000x64xf32, #tpu.memory_space<hbm>>
      tpu.wait_indirect_dma semaphore(%arg8 : memref<!tpu.dma_semaphore, #tpu.memory_space<semaphore_mem>>) src(%dma_wait3A_308 : memref<1000000x64xf32, #tpu.memory_space<hbm>>) dst(%dma_wait3A_302 : memref<128x64xf32, #tpu.memory_space<vmem>>)
      %dma_wait3A_309 = arith.constant 1 : i32
      %dma_wait3A_310 = arith.constant 0 : i32
      %dma_wait3A_311 = arith.constant 0 : i32
      %dma_wait3A_312 = tpu.memref_slice %arg6[%dma_wait3A_309, %dma_wait3A_310, %dma_wait3A_311] : memref<5x128x64xf32, #tpu.memory_space<vmem>> -> memref<1x128x64xf32, #tpu.memory_space<vmem>>
      %dma_wait3A_313 = tpu.memref_squeeze %dma_wait3A_312 : memref<1x128x64xf32, #tpu.memory_space<vmem>> -> memref<128x64xf32, #tpu.memory_space<vmem>>
      %dma_wait3A_314 = arith.constant 0 : i32
      %dma_wait3A_315 = tpu.memref_slice %arg5[%add3A_162, %dma_wait3A_314] : memref<200x128xi32, #tpu.memory_space<vmem>> -> memref<1x128xi32, #tpu.memory_space<vmem>>
      %dma_wait3A_316 = tpu.memref_squeeze %dma_wait3A_315 : memref<1x128xi32, #tpu.memory_space<vmem>> -> memref<128xi32, #tpu.memory_space<vmem>>
      %dma_wait3A_317 = arith.constant 0 : i32
      %dma_wait3A_318 = arith.constant 0 : i32
      %dma_wait3A_319 = tpu.memref_slice %arg3[%dma_wait3A_317, %dma_wait3A_318] : memref<1000000x64xf32, #tpu.memory_space<hbm>> -> memref<1000000x64xf32, #tpu.memory_space<hbm>>
      tpu.wait_indirect_dma semaphore(%arg8 : memref<!tpu.dma_semaphore, #tpu.memory_space<semaphore_mem>>) src(%dma_wait3A_319 : memref<1000000x64xf32, #tpu.memory_space<hbm>>) dst(%dma_wait3A_313 : memref<128x64xf32, #tpu.memory_space<vmem>>)
      %dma_wait3A_320 = arith.constant 2 : i32
      %dma_wait3A_321 = arith.constant 0 : i32
      %dma_wait3A_322 = arith.constant 0 : i32
      %dma_wait3A_323 = tpu.memref_slice %arg6[%dma_wait3A_320, %dma_wait3A_321, %dma_wait3A_322] : memref<5x128x64xf32, #tpu.memory_space<vmem>> -> memref<1x128x64xf32, #tpu.memory_space<vmem>>
      %dma_wait3A_324 = tpu.memref_squeeze %dma_wait3A_323 : memref<1x128x64xf32, #tpu.memory_space<vmem>> -> memref<128x64xf32, #tpu.memory_space<vmem>>
      %dma_wait3A_325 = arith.constant 0 : i32
      %dma_wait3A_326 = tpu.memref_slice %arg5[%add3A_177, %dma_wait3A_325] : memref<200x128xi32, #tpu.memory_space<vmem>> -> memref<1x128xi32, #tpu.memory_space<vmem>>
      %dma_wait3A_327 = tpu.memref_squeeze %dma_wait3A_326 : memref<1x128xi32, #tpu.memory_space<vmem>> -> memref<128xi32, #tpu.memory_space<vmem>>
      %dma_wait3A_328 = arith.constant 0 : i32
      %dma_wait3A_329 = arith.constant 0 : i32
      %dma_wait3A_330 = tpu.memref_slice %arg3[%dma_wait3A_328, %dma_wait3A_329] : memref<1000000x64xf32, #tpu.memory_space<hbm>> -> memref<1000000x64xf32, #tpu.memory_space<hbm>>
      tpu.wait_indirect_dma semaphore(%arg8 : memref<!tpu.dma_semaphore, #tpu.memory_space<semaphore_mem>>) src(%dma_wait3A_330 : memref<1000000x64xf32, #tpu.memory_space<hbm>>) dst(%dma_wait3A_324 : memref<128x64xf32, #tpu.memory_space<vmem>>)
      %dma_wait3A_331 = arith.constant 3 : i32
      %dma_wait3A_332 = arith.constant 0 : i32
      %dma_wait3A_333 = arith.constant 0 : i32
      %dma_wait3A_334 = tpu.memref_slice %arg6[%dma_wait3A_331, %dma_wait3A_332, %dma_wait3A_333] : memref<5x128x64xf32, #tpu.memory_space<vmem>> -> memref<1x128x64xf32, #tpu.memory_space<vmem>>
      %dma_wait3A_335 = tpu.memref_squeeze %dma_wait3A_334 : memref<1x128x64xf32, #tpu.memory_space<vmem>> -> memref<128x64xf32, #tpu.memory_space<vmem>>
      %dma_wait3A_336 = arith.constant 0 : i32
      %dma_wait3A_337 = tpu.memref_slice %arg5[%add3A_192, %dma_wait3A_336] : memref<200x128xi32, #tpu.memory_space<vmem>> -> memref<1x128xi32, #tpu.memory_space<vmem>>
      %dma_wait3A_338 = tpu.memref_squeeze %dma_wait3A_337 : memref<1x128xi32, #tpu.memory_space<vmem>> -> memref<128xi32, #tpu.memory_space<vmem>>
      %dma_wait3A_339 = arith.constant 0 : i32
      %dma_wait3A_340 = arith.constant 0 : i32
      %dma_wait3A_341 = tpu.memref_slice %arg3[%dma_wait3A_339, %dma_wait3A_340] : memref<1000000x64xf32, #tpu.memory_space<hbm>> -> memref<1000000x64xf32, #tpu.memory_space<hbm>>
      tpu.wait_indirect_dma semaphore(%arg8 : memref<!tpu.dma_semaphore, #tpu.memory_space<semaphore_mem>>) src(%dma_wait3A_341 : memref<1000000x64xf32, #tpu.memory_space<hbm>>) dst(%dma_wait3A_335 : memref<128x64xf32, #tpu.memory_space<vmem>>)
      %dma_wait3A_342 = arith.constant 4 : i32
      %dma_wait3A_343 = arith.constant 0 : i32
      %dma_wait3A_344 = arith.constant 0 : i32
      %dma_wait3A_345 = tpu.memref_slice %arg6[%dma_wait3A_342, %dma_wait3A_343, %dma_wait3A_344] : memref<5x128x64xf32, #tpu.memory_space<vmem>> -> memref<1x128x64xf32, #tpu.memory_space<vmem>>
      %dma_wait3A_346 = tpu.memref_squeeze %dma_wait3A_345 : memref<1x128x64xf32, #tpu.memory_space<vmem>> -> memref<128x64xf32, #tpu.memory_space<vmem>>
      %dma_wait3A_347 = arith.constant 0 : i32
      %dma_wait3A_348 = tpu.memref_slice %arg5[%add3A_207, %dma_wait3A_347] : memref<200x128xi32, #tpu.memory_space<vmem>> -> memref<1x128xi32, #tpu.memory_space<vmem>>
      %dma_wait3A_349 = tpu.memref_squeeze %dma_wait3A_348 : memref<1x128xi32, #tpu.memory_space<vmem>> -> memref<128xi32, #tpu.memory_space<vmem>>
      %dma_wait3A_350 = arith.constant 0 : i32
      %dma_wait3A_351 = arith.constant 0 : i32
      %dma_wait3A_352 = tpu.memref_slice %arg3[%dma_wait3A_350, %dma_wait3A_351] : memref<1000000x64xf32, #tpu.memory_space<hbm>> -> memref<1000000x64xf32, #tpu.memory_space<hbm>>
      tpu.wait_indirect_dma semaphore(%arg8 : memref<!tpu.dma_semaphore, #tpu.memory_space<semaphore_mem>>) src(%dma_wait3A_352 : memref<1000000x64xf32, #tpu.memory_space<hbm>>) dst(%dma_wait3A_346 : memref<128x64xf32, #tpu.memory_space<vmem>>)
      %mul3A_353 = arith.constant 2 : i32
      %mul3A_354 = arith.muli %mul3A_353, %add3A_140 : i32
      %mul3A_355 = arith.constant 5 : i32
      %mul3A_356 = arith.muli %mul3A_354, %mul3A_355 : i32
      %add3A_357 = arith.constant 0 : i32
      %add3A_358 = arith.addi %mul3A_356, %add3A_357 : i32
      %mul3A_359 = arith.constant 128 : i32
      %mul3A_360 = arith.muli %add3A_358, %mul3A_359 : i32
      %add3A_361 = arith.addi %mul3A_2, %mul3A_360 : i32
      %dma_start3A_362 = arith.constant 0 : i32
      %dma_start3A_363 = arith.constant 0 : i32
      %dma_start3A_364 = arith.constant 0 : i32
      %dma_start3A_365 = tpu.memref_slice %arg6[%dma_start3A_362, %dma_start3A_363, %dma_start3A_364] : memref<5x128x64xf32, #tpu.memory_space<vmem>> -> memref<1x128x64xf32, #tpu.memory_space<vmem>>
      %dma_start3A_366 = tpu.memref_squeeze %dma_start3A_365 : memref<1x128x64xf32, #tpu.memory_space<vmem>> -> memref<128x64xf32, #tpu.memory_space<vmem>>
      %dma_start3A_367 = arith.constant 0 : i32
      %dma_start3A_368 = tpu.memref_slice %arg4[%add3A_361, %dma_start3A_367] : memref<819200x64xf32, #tpu.memory_space<hbm>> -> memref<128x64xf32, #tpu.memory_space<hbm>>
      %dma_start3A_369 = arith.constant 0 : i32
      %dma_start3A_370 = tpu.memref_slice %arg4[%add3A_361, %dma_start3A_369] : memref<819200x64xf32, #tpu.memory_space<hbm>> -> memref<128x64xf32, #tpu.memory_space<hbm>>
      %dma_start3A_371 = arith.constant 0 : i32
      %dma_start3A_372 = arith.constant 0 : i32
      %dma_start3A_373 = tpu.memref_slice %arg6[%dma_start3A_362, %dma_start3A_371, %dma_start3A_372] : memref<5x128x64xf32, #tpu.memory_space<vmem>> -> memref<1x128x64xf32, #tpu.memory_space<vmem>>
      %dma_start3A_374 = tpu.memref_squeeze %dma_start3A_373 : memref<1x128x64xf32, #tpu.memory_space<vmem>> -> memref<128x64xf32, #tpu.memory_space<vmem>>
      tpu.enqueue_dma source(%dma_start3A_374 : memref<128x64xf32, #tpu.memory_space<vmem>>) target(%dma_start3A_370 : memref<128x64xf32, #tpu.memory_space<hbm>>) target_semaphore(%arg10 : memref<!tpu.dma_semaphore, #tpu.memory_space<semaphore_mem>>)
      %mul3A_375 = arith.constant 5 : i32
      %mul3A_376 = arith.muli %mul3A_354, %mul3A_375 : i32
      %add3A_377 = arith.constant 1 : i32
      %add3A_378 = arith.addi %mul3A_376, %add3A_377 : i32
      %mul3A_379 = arith.constant 128 : i32
      %mul3A_380 = arith.muli %add3A_378, %mul3A_379 : i32
      %add3A_381 = arith.addi %mul3A_2, %mul3A_380 : i32
      %dma_start3A_382 = arith.constant 1 : i32
      %dma_start3A_383 = arith.constant 0 : i32
      %dma_start3A_384 = arith.constant 0 : i32
      %dma_start3A_385 = tpu.memref_slice %arg6[%dma_start3A_382, %dma_start3A_383, %dma_start3A_384] : memref<5x128x64xf32, #tpu.memory_space<vmem>> -> memref<1x128x64xf32, #tpu.memory_space<vmem>>
      %dma_start3A_386 = tpu.memref_squeeze %dma_start3A_385 : memref<1x128x64xf32, #tpu.memory_space<vmem>> -> memref<128x64xf32, #tpu.memory_space<vmem>>
      %dma_start3A_387 = arith.constant 0 : i32
      %dma_start3A_388 = tpu.memref_slice %arg4[%add3A_381, %dma_start3A_387] : memref<819200x64xf32, #tpu.memory_space<hbm>> -> memref<128x64xf32, #tpu.memory_space<hbm>>
      %dma_start3A_389 = arith.constant 0 : i32
      %dma_start3A_390 = tpu.memref_slice %arg4[%add3A_381, %dma_start3A_389] : memref<819200x64xf32, #tpu.memory_space<hbm>> -> memref<128x64xf32, #tpu.memory_space<hbm>>
      %dma_start3A_391 = arith.constant 0 : i32
      %dma_start3A_392 = arith.constant 0 : i32
      %dma_start3A_393 = tpu.memref_slice %arg6[%dma_start3A_382, %dma_start3A_391, %dma_start3A_392] : memref<5x128x64xf32, #tpu.memory_space<vmem>> -> memref<1x128x64xf32, #tpu.memory_space<vmem>>
      %dma_start3A_394 = tpu.memref_squeeze %dma_start3A_393 : memref<1x128x64xf32, #tpu.memory_space<vmem>> -> memref<128x64xf32, #tpu.memory_space<vmem>>
      tpu.enqueue_dma source(%dma_start3A_394 : memref<128x64xf32, #tpu.memory_space<vmem>>) target(%dma_start3A_390 : memref<128x64xf32, #tpu.memory_space<hbm>>) target_semaphore(%arg10 : memref<!tpu.dma_semaphore, #tpu.memory_space<semaphore_mem>>)
      %mul3A_395 = arith.constant 5 : i32
      %mul3A_396 = arith.muli %mul3A_354, %mul3A_395 : i32
      %add3A_397 = arith.constant 2 : i32
      %add3A_398 = arith.addi %mul3A_396, %add3A_397 : i32
      %mul3A_399 = arith.constant 128 : i32
      %mul3A_400 = arith.muli %add3A_398, %mul3A_399 : i32
      %add3A_401 = arith.addi %mul3A_2, %mul3A_400 : i32
      %dma_start3A_402 = arith.constant 2 : i32
      %dma_start3A_403 = arith.constant 0 : i32
      %dma_start3A_404 = arith.constant 0 : i32
      %dma_start3A_405 = tpu.memref_slice %arg6[%dma_start3A_402, %dma_start3A_403, %dma_start3A_404] : memref<5x128x64xf32, #tpu.memory_space<vmem>> -> memref<1x128x64xf32, #tpu.memory_space<vmem>>
      %dma_start3A_406 = tpu.memref_squeeze %dma_start3A_405 : memref<1x128x64xf32, #tpu.memory_space<vmem>> -> memref<128x64xf32, #tpu.memory_space<vmem>>
      %dma_start3A_407 = arith.constant 0 : i32
      %dma_start3A_408 = tpu.memref_slice %arg4[%add3A_401, %dma_start3A_407] : memref<819200x64xf32, #tpu.memory_space<hbm>> -> memref<128x64xf32, #tpu.memory_space<hbm>>
      %dma_start3A_409 = arith.constant 0 : i32
      %dma_start3A_410 = tpu.memref_slice %arg4[%add3A_401, %dma_start3A_409] : memref<819200x64xf32, #tpu.memory_space<hbm>> -> memref<128x64xf32, #tpu.memory_space<hbm>>
      %dma_start3A_411 = arith.constant 0 : i32
      %dma_start3A_412 = arith.constant 0 : i32
      %dma_start3A_413 = tpu.memref_slice %arg6[%dma_start3A_402, %dma_start3A_411, %dma_start3A_412] : memref<5x128x64xf32, #tpu.memory_space<vmem>> -> memref<1x128x64xf32, #tpu.memory_space<vmem>>
      %dma_start3A_414 = tpu.memref_squeeze %dma_start3A_413 : memref<1x128x64xf32, #tpu.memory_space<vmem>> -> memref<128x64xf32, #tpu.memory_space<vmem>>
      tpu.enqueue_dma source(%dma_start3A_414 : memref<128x64xf32, #tpu.memory_space<vmem>>) target(%dma_start3A_410 : memref<128x64xf32, #tpu.memory_space<hbm>>) target_semaphore(%arg10 : memref<!tpu.dma_semaphore, #tpu.memory_space<semaphore_mem>>)
      %mul3A_415 = arith.constant 5 : i32
      %mul3A_416 = arith.muli %mul3A_354, %mul3A_415 : i32
      %add3A_417 = arith.constant 3 : i32
      %add3A_418 = arith.addi %mul3A_416, %add3A_417 : i32
      %mul3A_419 = arith.constant 128 : i32
      %mul3A_420 = arith.muli %add3A_418, %mul3A_419 : i32
      %add3A_421 = arith.addi %mul3A_2, %mul3A_420 : i32
      %dma_start3A_422 = arith.constant 3 : i32
      %dma_start3A_423 = arith.constant 0 : i32
      %dma_start3A_424 = arith.constant 0 : i32
      %dma_start3A_425 = tpu.memref_slice %arg6[%dma_start3A_422, %dma_start3A_423, %dma_start3A_424] : memref<5x128x64xf32, #tpu.memory_space<vmem>> -> memref<1x128x64xf32, #tpu.memory_space<vmem>>
      %dma_start3A_426 = tpu.memref_squeeze %dma_start3A_425 : memref<1x128x64xf32, #tpu.memory_space<vmem>> -> memref<128x64xf32, #tpu.memory_space<vmem>>
      %dma_start3A_427 = arith.constant 0 : i32
      %dma_start3A_428 = tpu.memref_slice %arg4[%add3A_421, %dma_start3A_427] : memref<819200x64xf32, #tpu.memory_space<hbm>> -> memref<128x64xf32, #tpu.memory_space<hbm>>
      %dma_start3A_429 = arith.constant 0 : i32
      %dma_start3A_430 = tpu.memref_slice %arg4[%add3A_421, %dma_start3A_429] : memref<819200x64xf32, #tpu.memory_space<hbm>> -> memref<128x64xf32, #tpu.memory_space<hbm>>
      %dma_start3A_431 = arith.constant 0 : i32
      %dma_start3A_432 = arith.constant 0 : i32
      %dma_start3A_433 = tpu.memref_slice %arg6[%dma_start3A_422, %dma_start3A_431, %dma_start3A_432] : memref<5x128x64xf32, #tpu.memory_space<vmem>> -> memref<1x128x64xf32, #tpu.memory_space<vmem>>
      %dma_start3A_434 = tpu.memref_squeeze %dma_start3A_433 : memref<1x128x64xf32, #tpu.memory_space<vmem>> -> memref<128x64xf32, #tpu.memory_space<vmem>>
      tpu.enqueue_dma source(%dma_start3A_434 : memref<128x64xf32, #tpu.memory_space<vmem>>) target(%dma_start3A_430 : memref<128x64xf32, #tpu.memory_space<hbm>>) target_semaphore(%arg10 : memref<!tpu.dma_semaphore, #tpu.memory_space<semaphore_mem>>)
      %mul3A_435 = arith.constant 5 : i32
      %mul3A_436 = arith.muli %mul3A_354, %mul3A_435 : i32
      %add3A_437 = arith.constant 4 : i32
      %add3A_438 = arith.addi %mul3A_436, %add3A_437 : i32
      %mul3A_439 = arith.constant 128 : i32
      %mul3A_440 = arith.muli %add3A_438, %mul3A_439 : i32
      %add3A_441 = arith.addi %mul3A_2, %mul3A_440 : i32
      %dma_start3A_442 = arith.constant 4 : i32
      %dma_start3A_443 = arith.constant 0 : i32
      %dma_start3A_444 = arith.constant 0 : i32
      %dma_start3A_445 = tpu.memref_slice %arg6[%dma_start3A_442, %dma_start3A_443, %dma_start3A_444] : memref<5x128x64xf32, #tpu.memory_space<vmem>> -> memref<1x128x64xf32, #tpu.memory_space<vmem>>
      %dma_start3A_446 = tpu.memref_squeeze %dma_start3A_445 : memref<1x128x64xf32, #tpu.memory_space<vmem>> -> memref<128x64xf32, #tpu.memory_space<vmem>>
      %dma_start3A_447 = arith.constant 0 : i32
      %dma_start3A_448 = tpu.memref_slice %arg4[%add3A_441, %dma_start3A_447] : memref<819200x64xf32, #tpu.memory_space<hbm>> -> memref<128x64xf32, #tpu.memory_space<hbm>>
      %dma_start3A_449 = arith.constant 0 : i32
      %dma_start3A_450 = tpu.memref_slice %arg4[%add3A_441, %dma_start3A_449] : memref<819200x64xf32, #tpu.memory_space<hbm>> -> memref<128x64xf32, #tpu.memory_space<hbm>>
      %dma_start3A_451 = arith.constant 0 : i32
      %dma_start3A_452 = arith.constant 0 : i32
      %dma_start3A_453 = tpu.memref_slice %arg6[%dma_start3A_442, %dma_start3A_451, %dma_start3A_452] : memref<5x128x64xf32, #tpu.memory_space<vmem>> -> memref<1x128x64xf32, #tpu.memory_space<vmem>>
      %dma_start3A_454 = tpu.memref_squeeze %dma_start3A_453 : memref<1x128x64xf32, #tpu.memory_space<vmem>> -> memref<128x64xf32, #tpu.memory_space<vmem>>
      tpu.enqueue_dma source(%dma_start3A_454 : memref<128x64xf32, #tpu.memory_space<vmem>>) target(%dma_start3A_450 : memref<128x64xf32, #tpu.memory_space<hbm>>) target_semaphore(%arg10 : memref<!tpu.dma_semaphore, #tpu.memory_space<semaphore_mem>>)
      %dma_wait3A_455 = arith.constant 0 : i32
      %dma_wait3A_456 = arith.constant 0 : i32
      %dma_wait3A_457 = arith.constant 0 : i32
      %dma_wait3A_458 = tpu.memref_slice %arg7[%dma_wait3A_455, %dma_wait3A_456, %dma_wait3A_457] : memref<5x128x64xf32, #tpu.memory_space<vmem>> -> memref<1x128x64xf32, #tpu.memory_space<vmem>>
      %dma_wait3A_459 = tpu.memref_squeeze %dma_wait3A_458 : memref<1x128x64xf32, #tpu.memory_space<vmem>> -> memref<128x64xf32, #tpu.memory_space<vmem>>
      %dma_wait3A_460 = arith.constant 0 : i32
      %dma_wait3A_461 = tpu.memref_slice %arg5[%add3A_226, %dma_wait3A_460] : memref<200x128xi32, #tpu.memory_space<vmem>> -> memref<1x128xi32, #tpu.memory_space<vmem>>
      %dma_wait3A_462 = tpu.memref_squeeze %dma_wait3A_461 : memref<1x128xi32, #tpu.memory_space<vmem>> -> memref<128xi32, #tpu.memory_space<vmem>>
      %dma_wait3A_463 = arith.constant 0 : i32
      %dma_wait3A_464 = arith.constant 0 : i32
      %dma_wait3A_465 = tpu.memref_slice %arg3[%dma_wait3A_463, %dma_wait3A_464] : memref<1000000x64xf32, #tpu.memory_space<hbm>> -> memref<1000000x64xf32, #tpu.memory_space<hbm>>
      tpu.wait_indirect_dma semaphore(%arg9 : memref<!tpu.dma_semaphore, #tpu.memory_space<semaphore_mem>>) src(%dma_wait3A_465 : memref<1000000x64xf32, #tpu.memory_space<hbm>>) dst(%dma_wait3A_459 : memref<128x64xf32, #tpu.memory_space<vmem>>)
      %dma_wait3A_466 = arith.constant 1 : i32
      %dma_wait3A_467 = arith.constant 0 : i32
      %dma_wait3A_468 = arith.constant 0 : i32
      %dma_wait3A_469 = tpu.memref_slice %arg7[%dma_wait3A_466, %dma_wait3A_467, %dma_wait3A_468] : memref<5x128x64xf32, #tpu.memory_space<vmem>> -> memref<1x128x64xf32, #tpu.memory_space<vmem>>
      %dma_wait3A_470 = tpu.memref_squeeze %dma_wait3A_469 : memref<1x128x64xf32, #tpu.memory_space<vmem>> -> memref<128x64xf32, #tpu.memory_space<vmem>>
      %dma_wait3A_471 = arith.constant 0 : i32
      %dma_wait3A_472 = tpu.memref_slice %arg5[%add3A_241, %dma_wait3A_471] : memref<200x128xi32, #tpu.memory_space<vmem>> -> memref<1x128xi32, #tpu.memory_space<vmem>>
      %dma_wait3A_473 = tpu.memref_squeeze %dma_wait3A_472 : memref<1x128xi32, #tpu.memory_space<vmem>> -> memref<128xi32, #tpu.memory_space<vmem>>
      %dma_wait3A_474 = arith.constant 0 : i32
      %dma_wait3A_475 = arith.constant 0 : i32
      %dma_wait3A_476 = tpu.memref_slice %arg3[%dma_wait3A_474, %dma_wait3A_475] : memref<1000000x64xf32, #tpu.memory_space<hbm>> -> memref<1000000x64xf32, #tpu.memory_space<hbm>>
      tpu.wait_indirect_dma semaphore(%arg9 : memref<!tpu.dma_semaphore, #tpu.memory_space<semaphore_mem>>) src(%dma_wait3A_476 : memref<1000000x64xf32, #tpu.memory_space<hbm>>) dst(%dma_wait3A_470 : memref<128x64xf32, #tpu.memory_space<vmem>>)
      %dma_wait3A_477 = arith.constant 2 : i32
      %dma_wait3A_478 = arith.constant 0 : i32
      %dma_wait3A_479 = arith.constant 0 : i32
      %dma_wait3A_480 = tpu.memref_slice %arg7[%dma_wait3A_477, %dma_wait3A_478, %dma_wait3A_479] : memref<5x128x64xf32, #tpu.memory_space<vmem>> -> memref<1x128x64xf32, #tpu.memory_space<vmem>>
      %dma_wait3A_481 = tpu.memref_squeeze %dma_wait3A_480 : memref<1x128x64xf32, #tpu.memory_space<vmem>> -> memref<128x64xf32, #tpu.memory_space<vmem>>
      %dma_wait3A_482 = arith.constant 0 : i32
      %dma_wait3A_483 = tpu.memref_slice %arg5[%add3A_256, %dma_wait3A_482] : memref<200x128xi32, #tpu.memory_space<vmem>> -> memref<1x128xi32, #tpu.memory_space<vmem>>
      %dma_wait3A_484 = tpu.memref_squeeze %dma_wait3A_483 : memref<1x128xi32, #tpu.memory_space<vmem>> -> memref<128xi32, #tpu.memory_space<vmem>>
      %dma_wait3A_485 = arith.constant 0 : i32
      %dma_wait3A_486 = arith.constant 0 : i32
      %dma_wait3A_487 = tpu.memref_slice %arg3[%dma_wait3A_485, %dma_wait3A_486] : memref<1000000x64xf32, #tpu.memory_space<hbm>> -> memref<1000000x64xf32, #tpu.memory_space<hbm>>
      tpu.wait_indirect_dma semaphore(%arg9 : memref<!tpu.dma_semaphore, #tpu.memory_space<semaphore_mem>>) src(%dma_wait3A_487 : memref<1000000x64xf32, #tpu.memory_space<hbm>>) dst(%dma_wait3A_481 : memref<128x64xf32, #tpu.memory_space<vmem>>)
      %dma_wait3A_488 = arith.constant 3 : i32
      %dma_wait3A_489 = arith.constant 0 : i32
      %dma_wait3A_490 = arith.constant 0 : i32
      %dma_wait3A_491 = tpu.memref_slice %arg7[%dma_wait3A_488, %dma_wait3A_489, %dma_wait3A_490] : memref<5x128x64xf32, #tpu.memory_space<vmem>> -> memref<1x128x64xf32, #tpu.memory_space<vmem>>
      %dma_wait3A_492 = tpu.memref_squeeze %dma_wait3A_491 : memref<1x128x64xf32, #tpu.memory_space<vmem>> -> memref<128x64xf32, #tpu.memory_space<vmem>>
      %dma_wait3A_493 = arith.constant 0 : i32
      %dma_wait3A_494 = tpu.memref_slice %arg5[%add3A_271, %dma_wait3A_493] : memref<200x128xi32, #tpu.memory_space<vmem>> -> memref<1x128xi32, #tpu.memory_space<vmem>>
      %dma_wait3A_495 = tpu.memref_squeeze %dma_wait3A_494 : memref<1x128xi32, #tpu.memory_space<vmem>> -> memref<128xi32, #tpu.memory_space<vmem>>
      %dma_wait3A_496 = arith.constant 0 : i32
      %dma_wait3A_497 = arith.constant 0 : i32
      %dma_wait3A_498 = tpu.memref_slice %arg3[%dma_wait3A_496, %dma_wait3A_497] : memref<1000000x64xf32, #tpu.memory_space<hbm>> -> memref<1000000x64xf32, #tpu.memory_space<hbm>>
      tpu.wait_indirect_dma semaphore(%arg9 : memref<!tpu.dma_semaphore, #tpu.memory_space<semaphore_mem>>) src(%dma_wait3A_498 : memref<1000000x64xf32, #tpu.memory_space<hbm>>) dst(%dma_wait3A_492 : memref<128x64xf32, #tpu.memory_space<vmem>>)
      %dma_wait3A_499 = arith.constant 4 : i32
      %dma_wait3A_500 = arith.constant 0 : i32
      %dma_wait3A_501 = arith.constant 0 : i32
      %dma_wait3A_502 = tpu.memref_slice %arg7[%dma_wait3A_499, %dma_wait3A_500, %dma_wait3A_501] : memref<5x128x64xf32, #tpu.memory_space<vmem>> -> memref<1x128x64xf32, #tpu.memory_space<vmem>>
      %dma_wait3A_503 = tpu.memref_squeeze %dma_wait3A_502 : memref<1x128x64xf32, #tpu.memory_space<vmem>> -> memref<128x64xf32, #tpu.memory_space<vmem>>
      %dma_wait3A_504 = arith.constant 0 : i32
      %dma_wait3A_505 = tpu.memref_slice %arg5[%add3A_286, %dma_wait3A_504] : memref<200x128xi32, #tpu.memory_space<vmem>> -> memref<1x128xi32, #tpu.memory_space<vmem>>
      %dma_wait3A_506 = tpu.memref_squeeze %dma_wait3A_505 : memref<1x128xi32, #tpu.memory_space<vmem>> -> memref<128xi32, #tpu.memory_space<vmem>>
      %dma_wait3A_507 = arith.constant 0 : i32
      %dma_wait3A_508 = arith.constant 0 : i32
      %dma_wait3A_509 = tpu.memref_slice %arg3[%dma_wait3A_507, %dma_wait3A_508] : memref<1000000x64xf32, #tpu.memory_space<hbm>> -> memref<1000000x64xf32, #tpu.memory_space<hbm>>
      tpu.wait_indirect_dma semaphore(%arg9 : memref<!tpu.dma_semaphore, #tpu.memory_space<semaphore_mem>>) src(%dma_wait3A_509 : memref<1000000x64xf32, #tpu.memory_space<hbm>>) dst(%dma_wait3A_503 : memref<128x64xf32, #tpu.memory_space<vmem>>)
      %mul3A_510 = arith.constant 2 : i32
      %mul3A_511 = arith.muli %mul3A_510, %add3A_140 : i32
      %add3A_512 = arith.constant 1 : i32
      %add3A_513 = arith.addi %mul3A_511, %add3A_512 : i32
      %mul3A_514 = arith.constant 5 : i32
      %mul3A_515 = arith.muli %add3A_513, %mul3A_514 : i32
      %add3A_516 = arith.constant 0 : i32
      %add3A_517 = arith.addi %mul3A_515, %add3A_516 : i32
      %mul3A_518 = arith.constant 128 : i32
      %mul3A_519 = arith.muli %add3A_517, %mul3A_518 : i32
      %add3A_520 = arith.addi %mul3A_2, %mul3A_519 : i32
      %dma_start3A_521 = arith.constant 0 : i32
      %dma_start3A_522 = arith.constant 0 : i32
      %dma_start3A_523 = arith.constant 0 : i32
      %dma_start3A_524 = tpu.memref_slice %arg7[%dma_start3A_521, %dma_start3A_522, %dma_start3A_523] : memref<5x128x64xf32, #tpu.memory_space<vmem>> -> memref<1x128x64xf32, #tpu.memory_space<vmem>>
      %dma_start3A_525 = tpu.memref_squeeze %dma_start3A_524 : memref<1x128x64xf32, #tpu.memory_space<vmem>> -> memref<128x64xf32, #tpu.memory_space<vmem>>
      %dma_start3A_526 = arith.constant 0 : i32
      %dma_start3A_527 = tpu.memref_slice %arg4[%add3A_520, %dma_start3A_526] : memref<819200x64xf32, #tpu.memory_space<hbm>> -> memref<128x64xf32, #tpu.memory_space<hbm>>
      %dma_start3A_528 = arith.constant 0 : i32
      %dma_start3A_529 = tpu.memref_slice %arg4[%add3A_520, %dma_start3A_528] : memref<819200x64xf32, #tpu.memory_space<hbm>> -> memref<128x64xf32, #tpu.memory_space<hbm>>
      %dma_start3A_530 = arith.constant 0 : i32
      %dma_start3A_531 = arith.constant 0 : i32
      %dma_start3A_532 = tpu.memref_slice %arg7[%dma_start3A_521, %dma_start3A_530, %dma_start3A_531] : memref<5x128x64xf32, #tpu.memory_space<vmem>> -> memref<1x128x64xf32, #tpu.memory_space<vmem>>
      %dma_start3A_533 = tpu.memref_squeeze %dma_start3A_532 : memref<1x128x64xf32, #tpu.memory_space<vmem>> -> memref<128x64xf32, #tpu.memory_space<vmem>>
      tpu.enqueue_dma source(%dma_start3A_533 : memref<128x64xf32, #tpu.memory_space<vmem>>) target(%dma_start3A_529 : memref<128x64xf32, #tpu.memory_space<hbm>>) target_semaphore(%arg11 : memref<!tpu.dma_semaphore, #tpu.memory_space<semaphore_mem>>)
      %mul3A_534 = arith.constant 5 : i32
      %mul3A_535 = arith.muli %add3A_513, %mul3A_534 : i32
      %add3A_536 = arith.constant 1 : i32
      %add3A_537 = arith.addi %mul3A_535, %add3A_536 : i32
      %mul3A_538 = arith.constant 128 : i32
      %mul3A_539 = arith.muli %add3A_537, %mul3A_538 : i32
      %add3A_540 = arith.addi %mul3A_2, %mul3A_539 : i32
      %dma_start3A_541 = arith.constant 1 : i32
      %dma_start3A_542 = arith.constant 0 : i32
      %dma_start3A_543 = arith.constant 0 : i32
      %dma_start3A_544 = tpu.memref_slice %arg7[%dma_start3A_541, %dma_start3A_542, %dma_start3A_543] : memref<5x128x64xf32, #tpu.memory_space<vmem>> -> memref<1x128x64xf32, #tpu.memory_space<vmem>>
      %dma_start3A_545 = tpu.memref_squeeze %dma_start3A_544 : memref<1x128x64xf32, #tpu.memory_space<vmem>> -> memref<128x64xf32, #tpu.memory_space<vmem>>
      %dma_start3A_546 = arith.constant 0 : i32
      %dma_start3A_547 = tpu.memref_slice %arg4[%add3A_540, %dma_start3A_546] : memref<819200x64xf32, #tpu.memory_space<hbm>> -> memref<128x64xf32, #tpu.memory_space<hbm>>
      %dma_start3A_548 = arith.constant 0 : i32
      %dma_start3A_549 = tpu.memref_slice %arg4[%add3A_540, %dma_start3A_548] : memref<819200x64xf32, #tpu.memory_space<hbm>> -> memref<128x64xf32, #tpu.memory_space<hbm>>
      %dma_start3A_550 = arith.constant 0 : i32
      %dma_start3A_551 = arith.constant 0 : i32
      %dma_start3A_552 = tpu.memref_slice %arg7[%dma_start3A_541, %dma_start3A_550, %dma_start3A_551] : memref<5x128x64xf32, #tpu.memory_space<vmem>> -> memref<1x128x64xf32, #tpu.memory_space<vmem>>
      %dma_start3A_553 = tpu.memref_squeeze %dma_start3A_552 : memref<1x128x64xf32, #tpu.memory_space<vmem>> -> memref<128x64xf32, #tpu.memory_space<vmem>>
      tpu.enqueue_dma source(%dma_start3A_553 : memref<128x64xf32, #tpu.memory_space<vmem>>) target(%dma_start3A_549 : memref<128x64xf32, #tpu.memory_space<hbm>>) target_semaphore(%arg11 : memref<!tpu.dma_semaphore, #tpu.memory_space<semaphore_mem>>)
      %mul3A_554 = arith.constant 5 : i32
      %mul3A_555 = arith.muli %add3A_513, %mul3A_554 : i32
      %add3A_556 = arith.constant 2 : i32
      %add3A_557 = arith.addi %mul3A_555, %add3A_556 : i32
      %mul3A_558 = arith.constant 128 : i32
      %mul3A_559 = arith.muli %add3A_557, %mul3A_558 : i32
      %add3A_560 = arith.addi %mul3A_2, %mul3A_559 : i32
      %dma_start3A_561 = arith.constant 2 : i32
      %dma_start3A_562 = arith.constant 0 : i32
      %dma_start3A_563 = arith.constant 0 : i32
      %dma_start3A_564 = tpu.memref_slice %arg7[%dma_start3A_561, %dma_start3A_562, %dma_start3A_563] : memref<5x128x64xf32, #tpu.memory_space<vmem>> -> memref<1x128x64xf32, #tpu.memory_space<vmem>>
      %dma_start3A_565 = tpu.memref_squeeze %dma_start3A_564 : memref<1x128x64xf32, #tpu.memory_space<vmem>> -> memref<128x64xf32, #tpu.memory_space<vmem>>
      %dma_start3A_566 = arith.constant 0 : i32
      %dma_start3A_567 = tpu.memref_slice %arg4[%add3A_560, %dma_start3A_566] : memref<819200x64xf32, #tpu.memory_space<hbm>> -> memref<128x64xf32, #tpu.memory_space<hbm>>
      %dma_start3A_568 = arith.constant 0 : i32
      %dma_start3A_569 = tpu.memref_slice %arg4[%add3A_560, %dma_start3A_568] : memref<819200x64xf32, #tpu.memory_space<hbm>> -> memref<128x64xf32, #tpu.memory_space<hbm>>
      %dma_start3A_570 = arith.constant 0 : i32
      %dma_start3A_571 = arith.constant 0 : i32
      %dma_start3A_572 = tpu.memref_slice %arg7[%dma_start3A_561, %dma_start3A_570, %dma_start3A_571] : memref<5x128x64xf32, #tpu.memory_space<vmem>> -> memref<1x128x64xf32, #tpu.memory_space<vmem>>
      %dma_start3A_573 = tpu.memref_squeeze %dma_start3A_572 : memref<1x128x64xf32, #tpu.memory_space<vmem>> -> memref<128x64xf32, #tpu.memory_space<vmem>>
      tpu.enqueue_dma source(%dma_start3A_573 : memref<128x64xf32, #tpu.memory_space<vmem>>) target(%dma_start3A_569 : memref<128x64xf32, #tpu.memory_space<hbm>>) target_semaphore(%arg11 : memref<!tpu.dma_semaphore, #tpu.memory_space<semaphore_mem>>)
      %mul3A_574 = arith.constant 5 : i32
      %mul3A_575 = arith.muli %add3A_513, %mul3A_574 : i32
      %add3A_576 = arith.constant 3 : i32
      %add3A_577 = arith.addi %mul3A_575, %add3A_576 : i32
      %mul3A_578 = arith.constant 128 : i32
      %mul3A_579 = arith.muli %add3A_577, %mul3A_578 : i32
      %add3A_580 = arith.addi %mul3A_2, %mul3A_579 : i32
      %dma_start3A_581 = arith.constant 3 : i32
      %dma_start3A_582 = arith.constant 0 : i32
      %dma_start3A_583 = arith.constant 0 : i32
      %dma_start3A_584 = tpu.memref_slice %arg7[%dma_start3A_581, %dma_start3A_582, %dma_start3A_583] : memref<5x128x64xf32, #tpu.memory_space<vmem>> -> memref<1x128x64xf32, #tpu.memory_space<vmem>>
      %dma_start3A_585 = tpu.memref_squeeze %dma_start3A_584 : memref<1x128x64xf32, #tpu.memory_space<vmem>> -> memref<128x64xf32, #tpu.memory_space<vmem>>
      %dma_start3A_586 = arith.constant 0 : i32
      %dma_start3A_587 = tpu.memref_slice %arg4[%add3A_580, %dma_start3A_586] : memref<819200x64xf32, #tpu.memory_space<hbm>> -> memref<128x64xf32, #tpu.memory_space<hbm>>
      %dma_start3A_588 = arith.constant 0 : i32
      %dma_start3A_589 = tpu.memref_slice %arg4[%add3A_580, %dma_start3A_588] : memref<819200x64xf32, #tpu.memory_space<hbm>> -> memref<128x64xf32, #tpu.memory_space<hbm>>
      %dma_start3A_590 = arith.constant 0 : i32
      %dma_start3A_591 = arith.constant 0 : i32
      %dma_start3A_592 = tpu.memref_slice %arg7[%dma_start3A_581, %dma_start3A_590, %dma_start3A_591] : memref<5x128x64xf32, #tpu.memory_space<vmem>> -> memref<1x128x64xf32, #tpu.memory_space<vmem>>
      %dma_start3A_593 = tpu.memref_squeeze %dma_start3A_592 : memref<1x128x64xf32, #tpu.memory_space<vmem>> -> memref<128x64xf32, #tpu.memory_space<vmem>>
      tpu.enqueue_dma source(%dma_start3A_593 : memref<128x64xf32, #tpu.memory_space<vmem>>) target(%dma_start3A_589 : memref<128x64xf32, #tpu.memory_space<hbm>>) target_semaphore(%arg11 : memref<!tpu.dma_semaphore, #tpu.memory_space<semaphore_mem>>)
      %mul3A_594 = arith.constant 5 : i32
      %mul3A_595 = arith.muli %add3A_513, %mul3A_594 : i32
      %add3A_596 = arith.constant 4 : i32
      %add3A_597 = arith.addi %mul3A_595, %add3A_596 : i32
      %mul3A_598 = arith.constant 128 : i32
      %mul3A_599 = arith.muli %add3A_597, %mul3A_598 : i32
      %add3A_600 = arith.addi %mul3A_2, %mul3A_599 : i32
      %dma_start3A_601 = arith.constant 4 : i32
      %dma_start3A_602 = arith.constant 0 : i32
      %dma_start3A_603 = arith.constant 0 : i32
      %dma_start3A_604 = tpu.memref_slice %arg7[%dma_start3A_601, %dma_start3A_602, %dma_start3A_603] : memref<5x128x64xf32, #tpu.memory_space<vmem>> -> memref<1x128x64xf32, #tpu.memory_space<vmem>>
      %dma_start3A_605 = tpu.memref_squeeze %dma_start3A_604 : memref<1x128x64xf32, #tpu.memory_space<vmem>> -> memref<128x64xf32, #tpu.memory_space<vmem>>
      %dma_start3A_606 = arith.constant 0 : i32
      %dma_start3A_607 = tpu.memref_slice %arg4[%add3A_600, %dma_start3A_606] : memref<819200x64xf32, #tpu.memory_space<hbm>> -> memref<128x64xf32, #tpu.memory_space<hbm>>
      %dma_start3A_608 = arith.constant 0 : i32
      %dma_start3A_609 = tpu.memref_slice %arg4[%add3A_600, %dma_start3A_608] : memref<819200x64xf32, #tpu.memory_space<hbm>> -> memref<128x64xf32, #tpu.memory_space<hbm>>
      %dma_start3A_610 = arith.constant 0 : i32
      %dma_start3A_611 = arith.constant 0 : i32
      %dma_start3A_612 = tpu.memref_slice %arg7[%dma_start3A_601, %dma_start3A_610, %dma_start3A_611] : memref<5x128x64xf32, #tpu.memory_space<vmem>> -> memref<1x128x64xf32, #tpu.memory_space<vmem>>
      %dma_start3A_613 = tpu.memref_squeeze %dma_start3A_612 : memref<1x128x64xf32, #tpu.memory_space<vmem>> -> memref<128x64xf32, #tpu.memory_space<vmem>>
      tpu.enqueue_dma source(%dma_start3A_613 : memref<128x64xf32, #tpu.memory_space<vmem>>) target(%dma_start3A_609 : memref<128x64xf32, #tpu.memory_space<hbm>>) target_semaphore(%arg11 : memref<!tpu.dma_semaphore, #tpu.memory_space<semaphore_mem>>)
    }
    %scan3A_6 = arith.constant 20 : i32
    %dma_wait3A = arith.constant 0 : i32
    %dma_wait3A_7 = arith.constant 0 : i32
    %dma_wait3A_8 = arith.constant 0 : i32
    %dma_wait3A_9 = tpu.memref_slice %arg6[%dma_wait3A, %dma_wait3A_7, %dma_wait3A_8] : memref<5x128x64xf32, #tpu.memory_space<vmem>> -> memref<1x128x64xf32, #tpu.memory_space<vmem>>
    %dma_wait3A_10 = tpu.memref_squeeze %dma_wait3A_9 : memref<1x128x64xf32, #tpu.memory_space<vmem>> -> memref<128x64xf32, #tpu.memory_space<vmem>>
    %dma_wait3A_11 = arith.constant 0 : i32
    %dma_wait3A_12 = tpu.memref_slice %arg4[%mul3A_2, %dma_wait3A_11] : memref<819200x64xf32, #tpu.memory_space<hbm>> -> memref<128x64xf32, #tpu.memory_space<hbm>>
    %dma_wait3A_13 = arith.constant 0 : i32
    %dma_wait3A_14 = tpu.memref_slice %arg4[%mul3A_2, %dma_wait3A_13] : memref<819200x64xf32, #tpu.memory_space<hbm>> -> memref<128x64xf32, #tpu.memory_space<hbm>>
    %dma_wait3A_15 = arith.constant 0 : i32
    %dma_wait3A_16 = arith.constant 0 : i32
    %dma_wait3A_17 = tpu.memref_slice %arg6[%dma_wait3A, %dma_wait3A_15, %dma_wait3A_16] : memref<5x128x64xf32, #tpu.memory_space<vmem>> -> memref<1x128x64xf32, #tpu.memory_space<vmem>>
    %dma_wait3A_18 = tpu.memref_squeeze %dma_wait3A_17 : memref<1x128x64xf32, #tpu.memory_space<vmem>> -> memref<128x64xf32, #tpu.memory_space<vmem>>
    tpu.wait_dma2 semaphore(%arg10 : memref<!tpu.dma_semaphore, #tpu.memory_space<semaphore_mem>>) src(%dma_wait3A_18 : memref<128x64xf32, #tpu.memory_space<vmem>>) dst(%dma_wait3A_14 : memref<128x64xf32, #tpu.memory_space<hbm>>)
    %dma_wait3A_19 = arith.constant 1 : i32
    %dma_wait3A_20 = arith.constant 0 : i32
    %dma_wait3A_21 = arith.constant 0 : i32
    %dma_wait3A_22 = tpu.memref_slice %arg6[%dma_wait3A_19, %dma_wait3A_20, %dma_wait3A_21] : memref<5x128x64xf32, #tpu.memory_space<vmem>> -> memref<1x128x64xf32, #tpu.memory_space<vmem>>
    %dma_wait3A_23 = tpu.memref_squeeze %dma_wait3A_22 : memref<1x128x64xf32, #tpu.memory_space<vmem>> -> memref<128x64xf32, #tpu.memory_space<vmem>>
    %dma_wait3A_24 = arith.constant 0 : i32
    %dma_wait3A_25 = tpu.memref_slice %arg4[%mul3A_2, %dma_wait3A_24] : memref<819200x64xf32, #tpu.memory_space<hbm>> -> memref<128x64xf32, #tpu.memory_space<hbm>>
    %dma_wait3A_26 = arith.constant 0 : i32
    %dma_wait3A_27 = tpu.memref_slice %arg4[%mul3A_2, %dma_wait3A_26] : memref<819200x64xf32, #tpu.memory_space<hbm>> -> memref<128x64xf32, #tpu.memory_space<hbm>>
    %dma_wait3A_28 = arith.constant 0 : i32
    %dma_wait3A_29 = arith.constant 0 : i32
    %dma_wait3A_30 = tpu.memref_slice %arg6[%dma_wait3A_19, %dma_wait3A_28, %dma_wait3A_29] : memref<5x128x64xf32, #tpu.memory_space<vmem>> -> memref<1x128x64xf32, #tpu.memory_space<vmem>>
    %dma_wait3A_31 = tpu.memref_squeeze %dma_wait3A_30 : memref<1x128x64xf32, #tpu.memory_space<vmem>> -> memref<128x64xf32, #tpu.memory_space<vmem>>
    tpu.wait_dma2 semaphore(%arg10 : memref<!tpu.dma_semaphore, #tpu.memory_space<semaphore_mem>>) src(%dma_wait3A_31 : memref<128x64xf32, #tpu.memory_space<vmem>>) dst(%dma_wait3A_27 : memref<128x64xf32, #tpu.memory_space<hbm>>)
    %dma_wait3A_32 = arith.constant 2 : i32
    %dma_wait3A_33 = arith.constant 0 : i32
    %dma_wait3A_34 = arith.constant 0 : i32
    %dma_wait3A_35 = tpu.memref_slice %arg6[%dma_wait3A_32, %dma_wait3A_33, %dma_wait3A_34] : memref<5x128x64xf32, #tpu.memory_space<vmem>> -> memref<1x128x64xf32, #tpu.memory_space<vmem>>
    %dma_wait3A_36 = tpu.memref_squeeze %dma_wait3A_35 : memref<1x128x64xf32, #tpu.memory_space<vmem>> -> memref<128x64xf32, #tpu.memory_space<vmem>>
    %dma_wait3A_37 = arith.constant 0 : i32
    %dma_wait3A_38 = tpu.memref_slice %arg4[%mul3A_2, %dma_wait3A_37] : memref<819200x64xf32, #tpu.memory_space<hbm>> -> memref<128x64xf32, #tpu.memory_space<hbm>>
    %dma_wait3A_39 = arith.constant 0 : i32
    %dma_wait3A_40 = tpu.memref_slice %arg4[%mul3A_2, %dma_wait3A_39] : memref<819200x64xf32, #tpu.memory_space<hbm>> -> memref<128x64xf32, #tpu.memory_space<hbm>>
    %dma_wait3A_41 = arith.constant 0 : i32
    %dma_wait3A_42 = arith.constant 0 : i32
    %dma_wait3A_43 = tpu.memref_slice %arg6[%dma_wait3A_32, %dma_wait3A_41, %dma_wait3A_42] : memref<5x128x64xf32, #tpu.memory_space<vmem>> -> memref<1x128x64xf32, #tpu.memory_space<vmem>>
    %dma_wait3A_44 = tpu.memref_squeeze %dma_wait3A_43 : memref<1x128x64xf32, #tpu.memory_space<vmem>> -> memref<128x64xf32, #tpu.memory_space<vmem>>
    tpu.wait_dma2 semaphore(%arg10 : memref<!tpu.dma_semaphore, #tpu.memory_space<semaphore_mem>>) src(%dma_wait3A_44 : memref<128x64xf32, #tpu.memory_space<vmem>>) dst(%dma_wait3A_40 : memref<128x64xf32, #tpu.memory_space<hbm>>)
    %dma_wait3A_45 = arith.constant 3 : i32
    %dma_wait3A_46 = arith.constant 0 : i32
    %dma_wait3A_47 = arith.constant 0 : i32
    %dma_wait3A_48 = tpu.memref_slice %arg6[%dma_wait3A_45, %dma_wait3A_46, %dma_wait3A_47] : memref<5x128x64xf32, #tpu.memory_space<vmem>> -> memref<1x128x64xf32, #tpu.memory_space<vmem>>
    %dma_wait3A_49 = tpu.memref_squeeze %dma_wait3A_48 : memref<1x128x64xf32, #tpu.memory_space<vmem>> -> memref<128x64xf32, #tpu.memory_space<vmem>>
    %dma_wait3A_50 = arith.constant 0 : i32
    %dma_wait3A_51 = tpu.memref_slice %arg4[%mul3A_2, %dma_wait3A_50] : memref<819200x64xf32, #tpu.memory_space<hbm>> -> memref<128x64xf32, #tpu.memory_space<hbm>>
    %dma_wait3A_52 = arith.constant 0 : i32
    %dma_wait3A_53 = tpu.memref_slice %arg4[%mul3A_2, %dma_wait3A_52] : memref<819200x64xf32, #tpu.memory_space<hbm>> -> memref<128x64xf32, #tpu.memory_space<hbm>>
    %dma_wait3A_54 = arith.constant 0 : i32
    %dma_wait3A_55 = arith.constant 0 : i32
    %dma_wait3A_56 = tpu.memref_slice %arg6[%dma_wait3A_45, %dma_wait3A_54, %dma_wait3A_55] : memref<5x128x64xf32, #tpu.memory_space<vmem>> -> memref<1x128x64xf32, #tpu.memory_space<vmem>>
    %dma_wait3A_57 = tpu.memref_squeeze %dma_wait3A_56 : memref<1x128x64xf32, #tpu.memory_space<vmem>> -> memref<128x64xf32, #tpu.memory_space<vmem>>
    tpu.wait_dma2 semaphore(%arg10 : memref<!tpu.dma_semaphore, #tpu.memory_space<semaphore_mem>>) src(%dma_wait3A_57 : memref<128x64xf32, #tpu.memory_space<vmem>>) dst(%dma_wait3A_53 : memref<128x64xf32, #tpu.memory_space<hbm>>)
    %dma_wait3A_58 = arith.constant 4 : i32
    %dma_wait3A_59 = arith.constant 0 : i32
    %dma_wait3A_60 = arith.constant 0 : i32
    %dma_wait3A_61 = tpu.memref_slice %arg6[%dma_wait3A_58, %dma_wait3A_59, %dma_wait3A_60] : memref<5x128x64xf32, #tpu.memory_space<vmem>> -> memref<1x128x64xf32, #tpu.memory_space<vmem>>
    %dma_wait3A_62 = tpu.memref_squeeze %dma_wait3A_61 : memref<1x128x64xf32, #tpu.memory_space<vmem>> -> memref<128x64xf32, #tpu.memory_space<vmem>>
    %dma_wait3A_63 = arith.constant 0 : i32
    %dma_wait3A_64 = tpu.memref_slice %arg4[%mul3A_2, %dma_wait3A_63] : memref<819200x64xf32, #tpu.memory_space<hbm>> -> memref<128x64xf32, #tpu.memory_space<hbm>>
    %dma_wait3A_65 = arith.constant 0 : i32
    %dma_wait3A_66 = tpu.memref_slice %arg4[%mul3A_2, %dma_wait3A_65] : memref<819200x64xf32, #tpu.memory_space<hbm>> -> memref<128x64xf32, #tpu.memory_space<hbm>>
    %dma_wait3A_67 = arith.constant 0 : i32
    %dma_wait3A_68 = arith.constant 0 : i32
    %dma_wait3A_69 = tpu.memref_slice %arg6[%dma_wait3A_58, %dma_wait3A_67, %dma_wait3A_68] : memref<5x128x64xf32, #tpu.memory_space<vmem>> -> memref<1x128x64xf32, #tpu.memory_space<vmem>>
    %dma_wait3A_70 = tpu.memref_squeeze %dma_wait3A_69 : memref<1x128x64xf32, #tpu.memory_space<vmem>> -> memref<128x64xf32, #tpu.memory_space<vmem>>
    tpu.wait_dma2 semaphore(%arg10 : memref<!tpu.dma_semaphore, #tpu.memory_space<semaphore_mem>>) src(%dma_wait3A_70 : memref<128x64xf32, #tpu.memory_space<vmem>>) dst(%dma_wait3A_66 : memref<128x64xf32, #tpu.memory_space<hbm>>)
    %dma_wait3A_71 = arith.constant 0 : i32
    %dma_wait3A_72 = arith.constant 0 : i32
    %dma_wait3A_73 = arith.constant 0 : i32
    %dma_wait3A_74 = tpu.memref_slice %arg7[%dma_wait3A_71, %dma_wait3A_72, %dma_wait3A_73] : memref<5x128x64xf32, #tpu.memory_space<vmem>> -> memref<1x128x64xf32, #tpu.memory_space<vmem>>
    %dma_wait3A_75 = tpu.memref_squeeze %dma_wait3A_74 : memref<1x128x64xf32, #tpu.memory_space<vmem>> -> memref<128x64xf32, #tpu.memory_space<vmem>>
    %dma_wait3A_76 = arith.constant 0 : i32
    %dma_wait3A_77 = tpu.memref_slice %arg4[%mul3A_2, %dma_wait3A_76] : memref<819200x64xf32, #tpu.memory_space<hbm>> -> memref<128x64xf32, #tpu.memory_space<hbm>>
    %dma_wait3A_78 = arith.constant 0 : i32
    %dma_wait3A_79 = tpu.memref_slice %arg4[%mul3A_2, %dma_wait3A_78] : memref<819200x64xf32, #tpu.memory_space<hbm>> -> memref<128x64xf32, #tpu.memory_space<hbm>>
    %dma_wait3A_80 = arith.constant 0 : i32
    %dma_wait3A_81 = arith.constant 0 : i32
    %dma_wait3A_82 = tpu.memref_slice %arg7[%dma_wait3A_71, %dma_wait3A_80, %dma_wait3A_81] : memref<5x128x64xf32, #tpu.memory_space<vmem>> -> memref<1x128x64xf32, #tpu.memory_space<vmem>>
    %dma_wait3A_83 = tpu.memref_squeeze %dma_wait3A_82 : memref<1x128x64xf32, #tpu.memory_space<vmem>> -> memref<128x64xf32, #tpu.memory_space<vmem>>
    tpu.wait_dma2 semaphore(%arg11 : memref<!tpu.dma_semaphore, #tpu.memory_space<semaphore_mem>>) src(%dma_wait3A_83 : memref<128x64xf32, #tpu.memory_space<vmem>>) dst(%dma_wait3A_79 : memref<128x64xf32, #tpu.memory_space<hbm>>)
    %dma_wait3A_84 = arith.constant 1 : i32
    %dma_wait3A_85 = arith.constant 0 : i32
    %dma_wait3A_86 = arith.constant 0 : i32
    %dma_wait3A_87 = tpu.memref_slice %arg7[%dma_wait3A_84, %dma_wait3A_85, %dma_wait3A_86] : memref<5x128x64xf32, #tpu.memory_space<vmem>> -> memref<1x128x64xf32, #tpu.memory_space<vmem>>
    %dma_wait3A_88 = tpu.memref_squeeze %dma_wait3A_87 : memref<1x128x64xf32, #tpu.memory_space<vmem>> -> memref<128x64xf32, #tpu.memory_space<vmem>>
    %dma_wait3A_89 = arith.constant 0 : i32
    %dma_wait3A_90 = tpu.memref_slice %arg4[%mul3A_2, %dma_wait3A_89] : memref<819200x64xf32, #tpu.memory_space<hbm>> -> memref<128x64xf32, #tpu.memory_space<hbm>>
    %dma_wait3A_91 = arith.constant 0 : i32
    %dma_wait3A_92 = tpu.memref_slice %arg4[%mul3A_2, %dma_wait3A_91] : memref<819200x64xf32, #tpu.memory_space<hbm>> -> memref<128x64xf32, #tpu.memory_space<hbm>>
    %dma_wait3A_93 = arith.constant 0 : i32
    %dma_wait3A_94 = arith.constant 0 : i32
    %dma_wait3A_95 = tpu.memref_slice %arg7[%dma_wait3A_84, %dma_wait3A_93, %dma_wait3A_94] : memref<5x128x64xf32, #tpu.memory_space<vmem>> -> memref<1x128x64xf32, #tpu.memory_space<vmem>>
    %dma_wait3A_96 = tpu.memref_squeeze %dma_wait3A_95 : memref<1x128x64xf32, #tpu.memory_space<vmem>> -> memref<128x64xf32, #tpu.memory_space<vmem>>
    tpu.wait_dma2 semaphore(%arg11 : memref<!tpu.dma_semaphore, #tpu.memory_space<semaphore_mem>>) src(%dma_wait3A_96 : memref<128x64xf32, #tpu.memory_space<vmem>>) dst(%dma_wait3A_92 : memref<128x64xf32, #tpu.memory_space<hbm>>)
    %dma_wait3A_97 = arith.constant 2 : i32
    %dma_wait3A_98 = arith.constant 0 : i32
    %dma_wait3A_99 = arith.constant 0 : i32
    %dma_wait3A_100 = tpu.memref_slice %arg7[%dma_wait3A_97, %dma_wait3A_98, %dma_wait3A_99] : memref<5x128x64xf32, #tpu.memory_space<vmem>> -> memref<1x128x64xf32, #tpu.memory_space<vmem>>
    %dma_wait3A_101 = tpu.memref_squeeze %dma_wait3A_100 : memref<1x128x64xf32, #tpu.memory_space<vmem>> -> memref<128x64xf32, #tpu.memory_space<vmem>>
    %dma_wait3A_102 = arith.constant 0 : i32
    %dma_wait3A_103 = tpu.memref_slice %arg4[%mul3A_2, %dma_wait3A_102] : memref<819200x64xf32, #tpu.memory_space<hbm>> -> memref<128x64xf32, #tpu.memory_space<hbm>>
    %dma_wait3A_104 = arith.constant 0 : i32
    %dma_wait3A_105 = tpu.memref_slice %arg4[%mul3A_2, %dma_wait3A_104] : memref<819200x64xf32, #tpu.memory_space<hbm>> -> memref<128x64xf32, #tpu.memory_space<hbm>>
    %dma_wait3A_106 = arith.constant 0 : i32
    %dma_wait3A_107 = arith.constant 0 : i32
    %dma_wait3A_108 = tpu.memref_slice %arg7[%dma_wait3A_97, %dma_wait3A_106, %dma_wait3A_107] : memref<5x128x64xf32, #tpu.memory_space<vmem>> -> memref<1x128x64xf32, #tpu.memory_space<vmem>>
    %dma_wait3A_109 = tpu.memref_squeeze %dma_wait3A_108 : memref<1x128x64xf32, #tpu.memory_space<vmem>> -> memref<128x64xf32, #tpu.memory_space<vmem>>
    tpu.wait_dma2 semaphore(%arg11 : memref<!tpu.dma_semaphore, #tpu.memory_space<semaphore_mem>>) src(%dma_wait3A_109 : memref<128x64xf32, #tpu.memory_space<vmem>>) dst(%dma_wait3A_105 : memref<128x64xf32, #tpu.memory_space<hbm>>)
    %dma_wait3A_110 = arith.constant 3 : i32
    %dma_wait3A_111 = arith.constant 0 : i32
    %dma_wait3A_112 = arith.constant 0 : i32
    %dma_wait3A_113 = tpu.memref_slice %arg7[%dma_wait3A_110, %dma_wait3A_111, %dma_wait3A_112] : memref<5x128x64xf32, #tpu.memory_space<vmem>> -> memref<1x128x64xf32, #tpu.memory_space<vmem>>
    %dma_wait3A_114 = tpu.memref_squeeze %dma_wait3A_113 : memref<1x128x64xf32, #tpu.memory_space<vmem>> -> memref<128x64xf32, #tpu.memory_space<vmem>>
    %dma_wait3A_115 = arith.constant 0 : i32
    %dma_wait3A_116 = tpu.memref_slice %arg4[%mul3A_2, %dma_wait3A_115] : memref<819200x64xf32, #tpu.memory_space<hbm>> -> memref<128x64xf32, #tpu.memory_space<hbm>>
    %dma_wait3A_117 = arith.constant 0 : i32
    %dma_wait3A_118 = tpu.memref_slice %arg4[%mul3A_2, %dma_wait3A_117] : memref<819200x64xf32, #tpu.memory_space<hbm>> -> memref<128x64xf32, #tpu.memory_space<hbm>>
    %dma_wait3A_119 = arith.constant 0 : i32
    %dma_wait3A_120 = arith.constant 0 : i32
    %dma_wait3A_121 = tpu.memref_slice %arg7[%dma_wait3A_110, %dma_wait3A_119, %dma_wait3A_120] : memref<5x128x64xf32, #tpu.memory_space<vmem>> -> memref<1x128x64xf32, #tpu.memory_space<vmem>>
    %dma_wait3A_122 = tpu.memref_squeeze %dma_wait3A_121 : memref<1x128x64xf32, #tpu.memory_space<vmem>> -> memref<128x64xf32, #tpu.memory_space<vmem>>
    tpu.wait_dma2 semaphore(%arg11 : memref<!tpu.dma_semaphore, #tpu.memory_space<semaphore_mem>>) src(%dma_wait3A_122 : memref<128x64xf32, #tpu.memory_space<vmem>>) dst(%dma_wait3A_118 : memref<128x64xf32, #tpu.memory_space<hbm>>)
    %dma_wait3A_123 = arith.constant 4 : i32
    %dma_wait3A_124 = arith.constant 0 : i32
    %dma_wait3A_125 = arith.constant 0 : i32
    %dma_wait3A_126 = tpu.memref_slice %arg7[%dma_wait3A_123, %dma_wait3A_124, %dma_wait3A_125] : memref<5x128x64xf32, #tpu.memory_space<vmem>> -> memref<1x128x64xf32, #tpu.memory_space<vmem>>
    %dma_wait3A_127 = tpu.memref_squeeze %dma_wait3A_126 : memref<1x128x64xf32, #tpu.memory_space<vmem>> -> memref<128x64xf32, #tpu.memory_space<vmem>>
    %dma_wait3A_128 = arith.constant 0 : i32
    %dma_wait3A_129 = tpu.memref_slice %arg4[%mul3A_2, %dma_wait3A_128] : memref<819200x64xf32, #tpu.memory_space<hbm>> -> memref<128x64xf32, #tpu.memory_space<hbm>>
    %dma_wait3A_130 = arith.constant 0 : i32
    %dma_wait3A_131 = tpu.memref_slice %arg4[%mul3A_2, %dma_wait3A_130] : memref<819200x64xf32, #tpu.memory_space<hbm>> -> memref<128x64xf32, #tpu.memory_space<hbm>>
    %dma_wait3A_132 = arith.constant 0 : i32
    %dma_wait3A_133 = arith.constant 0 : i32
    %dma_wait3A_134 = tpu.memref_slice %arg7[%dma_wait3A_123, %dma_wait3A_132, %dma_wait3A_133] : memref<5x128x64xf32, #tpu.memory_space<vmem>> -> memref<1x128x64xf32, #tpu.memory_space<vmem>>
    %dma_wait3A_135 = tpu.memref_squeeze %dma_wait3A_134 : memref<1x128x64xf32, #tpu.memory_space<vmem>> -> memref<128x64xf32, #tpu.memory_space<vmem>>
    tpu.wait_dma2 semaphore(%arg11 : memref<!tpu.dma_semaphore, #tpu.memory_space<semaphore_mem>>) src(%dma_wait3A_135 : memref<128x64xf32, #tpu.memory_space<vmem>>) dst(%dma_wait3A_131 : memref<128x64xf32, #tpu.memory_space<hbm>>)
    return
  }
}

</mosaic_0001>

<sc_bundles>
// kernel: kernel.3.cloned.1.call-start
scs
__scs_entry_jumppad:
0x0: {  	(pc) =	sbr.rel $0x88, $3  }
0x1: {  	(tag) =	ssettag $0x0;
	lr =	simm.s32 $0x1  }
0x2: {  	[smem:$0x3F9F] =	sst lr;
	_ =	strace $0xD0000000  }
0x3: {  	_ = 	snop  }
0x4: {  	_ = 	snop  }
0x5: {  	_ = 	snop  }
0x6: {  	_ = 	snop  }
0x7: {  	_ = 	snop  }
__scs_overlays_trampoline_lowered:
0x8: {  	[smem:$0x3FAE] =	sst s0  }
0x9: {  	[smem:$0x3FAF] =	sst s1  }
0xa: {  	[smem:$0x3FB0] =	sst s2  }
0xb: {  	[smem:$0x3FB1] =	sst s3  }
0xc: {  	[smem:$0x3FB2] =	sst s4  }
0xd: {  	[smem:$0x3FB3] =	sst s5  }
0xe: {  	[smem:$0x3FB4] =	sst s6  }
0xf: {  	[smem:$0x3FB5] =	sst s7  }
0x10: {  	[smem:$0x3FB6] =	sst s8  }
0x11: {  	[smem:$0x3FB7] =	sst s9;
	s0 =	simm.s32 @!p0 $0x0  }
0x12: {  	s1 =	sld [smem:$0x3F9D];
	s0 =	simm.s32 @p0 $0x1  }
0x13: {  	[smem:$0x3FB8] =	sst s0;
	s0 =	simm.s32 @!p1 $0x0  }
0x14: {  	s2 =	sld [smem:$0x3F9C];
	s0 =	simm.s32 @p1 $0x1  }
0x15: {  	[smem:$0x3FB9] =	sst s0;
	s0 =	simm.s32 @!p2 $0x0  }
0x16: {  	s3 =	sld [smem:$0x3FDB];
	s0 =	simm.s32 @p2 $0x1  }
0x17: {  	s4 =	simm.s32 $0x1BF5;
	[smem:$0x3FBB] =	sst s0  }
0x18: {  	s0 =	sld [smem:$0x3F9E];
	_ =	swait.ge [sflag:s4], $0x0  }
0x19: {  	s7 =	sld [smem:$0x3F9F]  }
0x1a: {  	s8 =	sadd.s32 $0xFFFFE003, lr  }
0x1b: {  	s9 =	sadd.s32 $0xFFFFFEF7, lr;
	s5 =	simm.s32 $0xFFFFFFFF;
	p2 =	slt.u32 s8, $0xFFFFF086  }
0x1c: {  	p1 =	slt.u32 s9, $0xF7A;
	s5 =	simm.s32 @!p2 $0x0  }
0x1d: {  	s5 =	simm.s32 @p1 $0x1;
	p0 =	seq.s32 s7, s2  }
0x1e: {  	s7 =	smul.u32 @!p0 $0xF7A, s2;
	p2 =	seq.s32 @!p0 s5, $0x0  }
0x1f: {  	s9 =	smul.u32 $0xF7A, s1;
	s8 =	simm.s32 @!p0 $0x1BF5;
	p2 =	por !p2, p0  }
0x20: {  	[sflag:s8] =	ssyncset.s32 @!p0 $0xFFFFF086;
	s6 =	sadd.s32 @!p0 s3, s7;
	s7 =	simm.s32 @!p0 $0x108  }
0x21: {  	s3 =	sadd.s32 s3, s9;
	s6 =	sadd.s32 @!p0 $0x88, s6;
	s7 =	simm.s32 @p2 $0x1082  }
0x22: {  	[simem:s7], [sflag:s8] =	dma.local @!p0 [hbm:s6], $0xF7A  }
0x23: {  	s9 =	sor.u32 $0xD0000000, s2;
	s6 =	simm.s32 $0x108;
	_ =	swait.ge @!p0 [sflag:s8], $0x0  }
0x24: {  	s3 =	sadd.s32 $0x88, s3;
	s6 =	simm.s32 @!p1 $0x1082;
	[sflag:s4] =	ssyncset.s32 $0xFFFFF086  }
0x25: {  	[simem:s6], [sflag:s4] =	dma.local [hbm:s3], $0xF7A  }
0x26: {  	[smem:$0x3F9F] =	sst s1;
	(tag) =	ssettag s2;
	_ =	strace s9  }
0x27: {  	s1 =	sld [smem:$0x3FAF]  }
0x28: {  	s2 =	sld [smem:$0x3FB0]  }
0x29: {  	s4 =	sld [smem:$0x3FB2]  }
0x2a: {  	p0 =	seq.s32 s5, $0x0;
	s5 =	sld [smem:$0x3FB3]  }
0x2b: {  	s6 =	sld [smem:$0x3FB4]  }
0x2c: {  	s7 =	sld [smem:$0x3FB5]  }
0x2d: {  	s3 =	simm.s32 $0x108;
	s8 =	sld [smem:$0x3FB6]  }
0x2e: {  	s3 =	simm.s32 @!p0 $0x1082;
	s9 =	sld [smem:$0x3FB7]  }
0x2f: {  	lr =	sadd.s32 s0, s3;
	s0 =	sld [smem:$0x3FAE]  }
0x30: {  	s3 =	sld [smem:$0x3FB1]  }
0x31: {  	[smem:$0x3FBA] =	sst s10  }
0x32: {  	s10 =	sld [smem:$0x3FB8];
	_ =	sdelay $0x3  }
0x33: {  	p0 =	seq.s32 s10, $0x1;
	s10 =	sld [smem:$0x3FBA];
	_ =	sdelay $0x3  }
0x34: {  	[smem:$0x3FBA] =	sst s10  }
0x35: {  	s10 =	sld [smem:$0x3FB9];
	_ =	sdelay $0x3  }
0x36: {  	p1 =	seq.s32 s10, $0x1;
	s10 =	sld [smem:$0x3FBA];
	_ =	sdelay $0x3  }
0x37: {  	[smem:$0x3FBA] =	sst s10  }
0x38: {  	s10 =	sld [smem:$0x3FBB]  }
0x39: {  	_ = 	snop;
	(pc) =	sbr.ind lr, $3  }
0x3a: {  	_ = 	snop  }
0x3b: {  	_ = 	snop  }
0x3c: {  	p2 =	seq.s32 s10, $0x1;
	s10 =	sld [smem:$0x3FBA]  }
0x3d: {  	_ =	shalt  }
0x3e: {  	_ =	shalt  }
0x3f: {  	_ =	shalt  }
0x40: {  	_ =	shalt  }
0x41: {  	_ =	shalt  }
0x42: {  	_ =	shalt  }
0x43: {  	_ =	shalt  }
0x44: {  	_ =	shalt  }
0x45: {  	_ =	shalt  }
0x46: {  	_ =	shalt  }
0x47: {  	_ =	shalt  }
0x48: {  	_ =	shalt  }
0x49: {  	_ =	shalt  }
0x4a: {  	_ =	shalt  }
0x4b: {  	_ =	shalt  }
0x4c: {  	_ =	shalt  }
0x4d: {  	_ =	shalt  }
0x4e: {  	_ =	shalt  }
0x4f: {  	_ =	shalt  }
0x50: {  	_ =	shalt  }
0x51: {  	_ =	shalt  }
0x52: {  	_ =	shalt  }
0x53: {  	_ =	shalt  }
0x54: {  	_ =	shalt  }
0x55: {  	_ =	shalt  }
0x56: {  	_ =	shalt  }
0x57: {  	_ =	shalt  }
0x58: {  	_ =	shalt  }
0x59: {  	_ =	shalt  }
0x5a: {  	_ =	shalt  }
0x5b: {  	_ =	shalt  }
0x5c: {  	_ =	shalt  }
0x5d: {  	_ =	shalt  }
0x5e: {  	_ =	shalt  }
0x5f: {  	_ =	shalt  }
0x60: {  	_ =	shalt  }
0x61: {  	_ =	shalt  }
0x62: {  	_ =	shalt  }
0x63: {  	_ =	shalt  }
0x64: {  	_ =	shalt  }
0x65: {  	_ =	shalt  }
0x66: {  	_ =	shalt  }
0x67: {  	_ =	shalt  }
0x68: {  	_ =	shalt  }
0x69: {  	_ =	shalt  }
0x6a: {  	_ =	shalt  }
0x6b: {  	_ =	shalt  }
0x6c: {  	_ =	shalt  }
0x6d: {  	_ =	shalt  }
0x6e: {  	_ =	shalt  }
0x6f: {  	_ =	shalt  }
0x70: {  	_ =	shalt  }
0x71: {  	_ =	shalt  }
0x72: {  	_ =	shalt  }
0x73: {  	_ =	shalt  }
0x74: {  	_ =	shalt  }
0x75: {  	_ =	shalt  }
0x76: {  	_ =	shalt  }
0x77: {  	_ =	shalt  }
0x78: {  	_ =	shalt  }
0x79: {  	_ =	shalt  }
0x7a: {  	_ =	shalt  }
0x7b: {  	_ =	shalt  }
0x7c: {  	_ =	shalt  }
0x7d: {  	_ =	shalt  }
0x7e: {  	_ =	shalt  }
0x7f: {  	_ =	shalt  }
0x80: {  	_ =	shalt  }
0x81: {  	_ =	shalt  }
0x82: {  	_ =	shalt  }
0x83: {  	_ =	shalt  }
0x84: {  	_ =	shalt  }
0x85: {  	_ =	shalt  }
0x86: {  	_ =	shalt  }
0x87: {  	_ =	shalt  }
.Lfunc_end0:
.L_simem_size_0:
called_computation.1_lowered:
.L_overlay_start_0:
0x88: {  	s2 =	sld [smem:$0x3FD9]  }
0x89: {  	s3 =	sld [smem:$0x3FFE];
	_ =	sdelay $0x1  }
0x8a: {  	s1 =	srdreg.scid  }
0x8b: {  	s0 =	sand.u32 $0x1, s1  }
0x8c: {  	s17 =	sshll.u32 s0, $0xA;
	s2 =	sadd.s32 s3, s2  }
0x8d: {  	s2 =	sadd.s32 s2, s17  }
0x8e: {  	[smem:$0x3FC6] =	sst s2  }
0x8f: {  	_ = 	snop  }
0x90: {  	s2 =	sld [smem:$0x3FD0];
	(tm) =	ssettm $0x1  }
0x91: {  	s18 =	sld [smem:$0x3FFB];
	_ =	sdelay $0x3  }
0x92: {  	_ =	strace s18  }
0x93: {  	s3 =	sld [smem:$0x3FFC];
	_ =	sdelay $0x3  }
0x94: {  	_ =	strace s3  }
0x95: {  	s3 =	sld [smem:$0x3FFD];
	_ =	sdelay $0x3  }
0x96: {  	_ =	strace s3  }
0x97: {  	_ =	strace $0x8FFFFFFF  }
0x98: {  	s19 =	sld [smem:$0x3FDB];
	_ =	sdelay $0x1  }
0x99: {  	s4 =	simm.s32 $_scs_section_size  }
0x9a: {  	s5 =	simm.s32 $_size__tile_overlayer_lowered;
	s6 =	simm.s32 $_tile_overlayer_lowered  }
0x9b: {  	s22 =	simm.s32 $0x1BFF;
	s21 =	sshll.u32 s6, $0x1;
	s3 =	sadd.s32 s4, s19  }
0x9c: {  	s7 =	simm.s32 $0x0;
	s20 =	sshll.u32 s5, $0x1;
	s5 =	sadd.s32 s21, s3  }
0x9d: {  	[timem:s7], [sflag:s22] =	dma.local [hbm:s5], s20  }
0x9e: {  	_ =	swait.ge [sflag:s22], s20  }
0x9f: {  	s4 =	ssub.s32 $0x0, s20;
	[sflag:s22] =	ssyncset.done $0x0  }
0xa0: {  	[sflag:s22] =	ssyncadd.s32 s4;
	_ =	sdelay $0x1  }
0xa1: {  	s23 =	simm.s32 $0x1B8B  }
0xa2: {  	_ =	swait.ge [sflag:s23], $0x1  }
0xa3: {  	[sflag:s23] =	ssyncset.done $0x0  }
0xa4: {  	s25 =	simm.s32 $0x1B8E;
	s24 =	sld [smem:$0x3FFE];
	[sflag:s23] =	ssyncadd.s32 $0xFFFFFFFF  }
0xa5: {  	s26 =	simm.s32 $execute0_lowered;
	[smem:$0x3FD2] =	sst s25  }
0xa6: {  	s5 =	sshll.u32 s26, $0x1;
	_ =	strace $0x80000046;
	[dreg:$0x1] =	wrdreg $0xFFFFFFFF  }
0xa7: {  	s28 =	simm.s32 $_size_execute0_lowered;
	s3 =	sadd.s32 s3, s5;
	[dreg:$0x0] =	wrdreg $0x0  }
0xa8: {  	s5 =	sshll.u32 s28, $0x1;
	[dreg:$0x2] =	wrdreg s3  }
0xa9: {  	[dreg:$0x3] =	wrdreg s5  }
0xaa: {  	[dreg:$0x4] =	wrdreg $0xC0  }
0xab: {  	_ =	task [dreg:s7], $0x5FFFF  }
0xac: {  	[dreg:$0x1] =	wrdreg $0xFFFFFFFF  }
0xad: {  	[dreg:$0x0] =	wrdreg $0x60  }
0xae: {  	[dreg:$0x2] =	wrdreg s24  }
0xaf: {  	[dreg:$0x3] =	wrdreg s2  }
0xb0: {  	[dreg:$0x4] =	wrdreg $0x9  }
0xb1: {  	_ =	task.clear_ibuf [dreg:s7], $0x5FFFF;
	_ =	strace $0x90000046  }
0xb2: {  	s29 =	simm.s32 $0x9;
	_ =	strace $0x80000048  }
0xb3: {  	_ =	swait.ge [sflag:s29], $0x1  }
0xb4: {  	[sflag:s29] =	ssyncadd.s32 $0xFFFFFFFF  }
0xb5: {  	_ =	strace $0x90000048  }
0xb6: {  	_ =	sfence  }
0xb7: {  	s30 =	sld [smem:$0x0];
	_ =	sdelay $0x2  }
0xb8: {  	s31 =	sshll.u32 s1, $0xD;
	s1 =	sshrl.u32 s1, $0x2  }
0xb9: {  	s3 =	sand.u32 $0x4000, s31;
	s1 =	sadd.s32 s1, s30  }
0xba: {  	s0 =	sor.u32 s3, s0;
	s1 =	sshll.u32 s1, $0x11  }
0xbb: {  	s0 =	sor.u32 s1, s0  }
0xbc: {  	s0 =	sadd.s32 $0x8F2B, s0  }
0xbd: {  	[sflag:s0] =	ssyncadd.remote.s32 $0x1  }
0xbe: {  	_ =	sfence.sel $0xFFFF  }
0xbf: {  	[dreg:$0x0] =	wrdreg $0xFFFFFFFF;
	(pc) =	sbr.abs _section_cstart, $3  }
0xc0: {  	[dreg:$0x1] =	wrdreg $0xFFFFFFFF  }
0xc1: {  	_ =	task.clear_ibuf [dreg:s7], $0x2FFFF;
	_ =	strace $0x9FFFFFFF  }
0xc2: {  	(tm) =	ssettm $0x7FFFFFFF  }
0xc3: {  	_ =	shalt  }
tec
execute0_lowered:
.L_overlay_start_1:
0x0: {  	(tag) =	ssettag $0x1  }
0x1: {  	s1 =	srdreg.scid;
	s5 =	rddreg [dreg:$0x0]  }
0x2: {  	s0 =	stileid.u32;
	s6 =	rddreg [dreg:$0x1];
	s11 =	simm.s32 $0xC400  }
0x3: {  	s12 =	simm.s32 $0xE400;
	s13 =	simm.s32 $0x10400;
	s14 =	simm.s32 $0x12400  }
0x4: {  	s15 =	simm.s32 $0x14400;
	s16 =	simm.s32 $0x16400;
	s19 =	smul.u32 $0xC800, s0  }
0x5: {  	s17 =	simm.s32 $0x18400;
	s4 =	sand.u32 $0x1, s1;
	s22 =	smul.u32 $0x64000, s0  }
0x6: {  	s18 =	simm.s32 $0x1;
	s2 =	sshll.u32 s0, $0x1;
	s3 =	smul.u32 $0x6400, s4  }
0x7: {  	s1 =	rddreg [dreg:$0x2];
	s2 =	sor.u32 s4, s2;
	s10 =	smul.u32 $0x32000, s4  }
0x8: {  	s4 =	ssub.s32 $0x2, s4;
	s7 =	smul.u32 $0x6400, s2;
	s3 =	sadd.s32 s3, s19  }
0x9: {  	s2 =	simm.s32 $0x0;
	s26 =	sshrl.u32 s4, $0x1;
	s3 =	sshll.u32 s3, $0x3  }
0xa: {  	[smem:$0x7FF] =	sst s2;
	s19 =	simm.s32 $0x2;
	s8 =	sadd.s32 s3, s6  }
0xb: {  	s7 =	sshrl.u32 s7, $0x3;
	_ =	strace $0x80000047;
	s9 =	sadd.s32 $0x1400, s8  }
0xc: {  	s7 =	sadd.s32 s7, s5;
	s20 =	sadd.s32 $0x2400, s8;
	[dreg:$0x3] =	wrdreg s9  }
0xd: {  	s3 =	sadd.s32 $0xF42E00, s5;
	s21 =	sadd.s32 $0x2000, s8;
	[dreg:$0x4] =	wrdreg s20  }
0xe: {  	s6 =	sadd.s32 s22, s6;
	s23 =	sadd.s32 $0x1C00, s8;
	[dreg:$0x5] =	wrdreg s21  }
0xf: {  	s22 =	simm.s32 $0x0;
	s24 =	sadd.s32 $0x1800, s8;
	[dreg:$0x6] =	wrdreg s23  }
0x10: {  	s25 =	sadd.s32 s10, s6;
	s28 =	sadd.s32 $0x1000, s8;
	[dreg:$0x7] =	wrdreg s24  }
0x11: {  	s6 =	ssub.s32 s4, s26;
	s29 =	sadd.s32 $0xC00, s8;
	[dreg:$0x8] =	wrdreg s25  }
0x12: {  	s4 =	sadd.s32 $0xA00, s7;
	s30 =	sadd.s32 $0x800, s8;
	[dreg:$0x9] =	wrdreg s28  }
0x13: {  	s31 =	sadd.s32 $0x400, s8;
	s7 =	simm.s32 $0x80;
	[dreg:$0xa] =	wrdreg s29  }
0x14: {  	s8 =	simm.s32 $0x6400;
	s10 =	simm.s32 $0xA400;
	[dreg:$0xb] =	wrdreg s30  }
0x15: {  	s5 =	smax.u32 s6, $0x1;
	[dreg:$0xc] =	wrdreg s31;
	s6 =	simm.s32 $0x5  }
0x16: {  	s9 =	simm.s32 $0x8400;
	s20 =	simm.s32 $0x3;
	s21 =	simm.s32 $0x4  }
.LBB2_1:
0x17: {  	[tilespmem:s2], [sflag:$0x5] =	stream.linear.gather [hbm4b:s4+s2], $0x6400, $0x38;
	[tilespmem:$0x1A400] =	vst v63  }
0x18: {  	p0 =	por $0x1, $0x1;
	_ =	swait.ge [sflag:s6], $0x6400  }
0x19: {  	p0 =	por p0, p0;
	[sflag:s6] =	ssyncset.done $0x0  }
0x1a: {  	s23 =	simm.s32 @!p0 $0x3;
	[sflag:s6] =	ssyncadd.s32 $0xFFFF9C00  }
0x1b: {  	_ =	swait.ge @!p0 [sflag:s23], $0x2000  }
0x1c: {  	[sflag:s23] =	ssyncset.done @!p0 $0x0  }
0x1d: {  	[sflag:s23] =	ssyncadd.s32 @!p0 $0xFFFFE000  }
0x1e: {  	_ =	swait.ge @!p0 [sflag:s23], $0x2000  }
0x1f: {  	[sflag:s23] =	ssyncset.done @!p0 $0x0  }
0x20: {  	[sflag:s23] =	ssyncadd.s32 @!p0 $0xFFFFE000  }
0x21: {  	_ =	swait.ge @!p0 [sflag:s23], $0x2000  }
0x22: {  	[sflag:s23] =	ssyncset.done @!p0 $0x0  }
0x23: {  	[sflag:s23] =	ssyncadd.s32 @!p0 $0xFFFFE000  }
0x24: {  	_ =	swait.ge @!p0 [sflag:s23], $0x2000  }
0x25: {  	[sflag:s23] =	ssyncset.done @!p0 $0x0  }
0x26: {  	[sflag:s23] =	ssyncadd.s32 @!p0 $0xFFFFE000  }
0x27: {  	_ =	swait.ge @!p0 [sflag:s23], $0x2000  }
0x28: {  	[sflag:s23] =	ssyncset.done @!p0 $0x0  }
0x29: {  	[sflag:s23] =	ssyncadd.s32 @!p0 $0xFFFFE000;
	s23 =	simm.s32 @!p0 $0x4  }
0x2a: {  	_ =	swait.ge @!p0 [sflag:s23], $0x2000  }
0x2b: {  	[sflag:s23] =	ssyncset.done @!p0 $0x0  }
0x2c: {  	[sflag:s23] =	ssyncadd.s32 @!p0 $0xFFFFE000  }
0x2d: {  	_ =	swait.ge @!p0 [sflag:s23], $0x2000  }
0x2e: {  	[sflag:s23] =	ssyncset.done @!p0 $0x0  }
0x2f: {  	[sflag:s23] =	ssyncadd.s32 @!p0 $0xFFFFE000  }
0x30: {  	_ =	swait.ge @!p0 [sflag:s23], $0x2000  }
0x31: {  	[sflag:s23] =	ssyncset.done @!p0 $0x0  }
0x32: {  	[sflag:s23] =	ssyncadd.s32 @!p0 $0xFFFFE000  }
0x33: {  	_ =	swait.ge @!p0 [sflag:s23], $0x2000  }
0x34: {  	[sflag:s23] =	ssyncset.done @!p0 $0x0  }
0x35: {  	[sflag:s23] =	ssyncadd.s32 @!p0 $0xFFFFE000  }
0x36: {  	_ =	swait.ge @!p0 [sflag:s23], $0x2000  }
0x37: {  	[sflag:s23] =	ssyncset.done @!p0 $0x0  }
0x38: {  	s31 =	simm.s32 $0x0;
	[sflag:s23] =	ssyncadd.s32 @!p0 $0xFFFFE000  }
0x39: {  	[tilespmem:s8], [sflag:$0x1] =	stream.indirect.gather [hbm4b:s3+s7], $0x40, s31, s7, $0xb8;
	[tilespmem:$0x1A400] =	vst v63  }
0x3a: {  	s24 =	simm.s32 $0x80  }
0x3b: {  	[tilespmem:s9], [sflag:$0x1] =	stream.indirect.gather [hbm4b:s3+s7], $0x40, s24, s7, $0xb8;
	[tilespmem:$0x1A400] =	vst v63  }
0x3c: {  	s25 =	simm.s32 $0x100  }
0x3d: {  	[tilespmem:s10], [sflag:$0x1] =	stream.indirect.gather [hbm4b:s3+s7], $0x40, s25, s7, $0xb8;
	[tilespmem:$0x1A400] =	vst v63  }
0x3e: {  	s26 =	simm.s32 $0x180  }
0x3f: {  	[tilespmem:s11], [sflag:$0x1] =	stream.indirect.gather [hbm4b:s3+s7], $0x40, s26, s7, $0xb8;
	[tilespmem:$0x1A400] =	vst v63  }
0x40: {  	s29 =	simm.s32 $0x200  }
0x41: {  	[tilespmem:s12], [sflag:$0x1] =	stream.indirect.gather [hbm4b:s3+s7], $0x40, s29, s7, $0xb8;
	[tilespmem:$0x1A400] =	vst v63  }
0x42: {  	s30 =	simm.s32 $0x280  }
0x43: {  	[tilespmem:s13], [sflag:$0x2] =	stream.indirect.gather [hbm4b:s3+s7], $0x40, s30, s7, $0xb8;
	[tilespmem:$0x1A400] =	vst v63  }
0x44: {  	s31 =	simm.s32 $0x300  }
0x45: {  	[tilespmem:s14], [sflag:$0x2] =	stream.indirect.gather [hbm4b:s3+s7], $0x40, s31, s7, $0xb8;
	[tilespmem:$0x1A400] =	vst v63  }
0x46: {  	s24 =	simm.s32 $0x380  }
0x47: {  	[tilespmem:s15], [sflag:$0x2] =	stream.indirect.gather [hbm4b:s3+s7], $0x40, s24, s7, $0xb8;
	[tilespmem:$0x1A400] =	vst v63  }
0x48: {  	s25 =	simm.s32 $0x400  }
0x49: {  	[tilespmem:s16], [sflag:$0x2] =	stream.indirect.gather [hbm4b:s3+s7], $0x40, s25, s7, $0xb8;
	[tilespmem:$0x1A400] =	vst v63  }
0x4a: {  	s26 =	simm.s32 $0x480  }
0x4b: {  	[tilespmem:s17], [sflag:$0x2] =	stream.indirect.gather [hbm4b:s3+s7], $0x40, s26, s7, $0xb8;
	[tilespmem:$0x1A400] =	vst v63  }
0x4c: {  	_ =	swait.ge [sflag:s18], $0x2000  }
0x4d: {  	[sflag:s18] =	ssyncset.done $0x0  }
0x4e: {  	[sflag:s18] =	ssyncadd.s32 $0xFFFFE000  }
0x4f: {  	_ =	swait.ge [sflag:s18], $0x2000  }
0x50: {  	[sflag:s18] =	ssyncset.done $0x0  }
0x51: {  	[sflag:s18] =	ssyncadd.s32 $0xFFFFE000  }
0x52: {  	_ =	swait.ge [sflag:s18], $0x2000  }
0x53: {  	[sflag:s18] =	ssyncset.done $0x0  }
0x54: {  	[sflag:s18] =	ssyncadd.s32 $0xFFFFE000  }
0x55: {  	_ =	swait.ge [sflag:s18], $0x2000  }
0x56: {  	[sflag:s18] =	ssyncset.done $0x0  }
0x57: {  	[sflag:s18] =	ssyncadd.s32 $0xFFFFE000  }
0x58: {  	_ =	swait.ge [sflag:s18], $0x2000  }
0x59: {  	s29 =	rddreg [dreg:$0x8];
	[sflag:s18] =	ssyncset.done $0x0  }
0x5a: {  	s24 =	rddreg [dreg:$0xc];
	[sflag:s18] =	ssyncadd.s32 $0xFFFFE000;
	s23 =	sadd.s32 $0x0, s29  }
0x5b: {  	[hbm4b:s23+s2] =	stream.linear.scatter [tilespmem:s8], [sflag:$0x3], $0x2000, $0x38;
	[tilespmem:$0x1A400] =	vst v63  }
0x5c: {  	s25 =	rddreg [dreg:$0xb];
	s30 =	sadd.s32 $0x0, s24  }
0x5d: {  	[hbm4b:s30+s2] =	stream.linear.scatter [tilespmem:s9], [sflag:$0x3], $0x2000, $0x38;
	[tilespmem:$0x1A400] =	vst v63  }
0x5e: {  	s31 =	rddreg [dreg:$0xa];
	s26 =	sadd.s32 $0x0, s25  }
0x5f: {  	[hbm4b:s26+s2] =	stream.linear.scatter [tilespmem:s10], [sflag:$0x3], $0x2000, $0x38;
	[tilespmem:$0x1A400] =	vst v63  }
0x60: {  	s29 =	rddreg [dreg:$0x9];
	s30 =	sadd.s32 $0x0, s31  }
0x61: {  	[hbm4b:s30+s2] =	stream.linear.scatter [tilespmem:s11], [sflag:$0x3], $0x2000, $0x38;
	[tilespmem:$0x1A400] =	vst v63  }
0x62: {  	s31 =	sadd.s32 $0x0, s29  }
0x63: {  	[hbm4b:s31+s2] =	stream.linear.scatter [tilespmem:s12], [sflag:$0x3], $0x2000, $0x38;
	[tilespmem:$0x1A400] =	vst v63  }
0x64: {  	_ =	swait.ge [sflag:s19], $0x2000  }
0x65: {  	[sflag:s19] =	ssyncset.done $0x0  }
0x66: {  	[sflag:s19] =	ssyncadd.s32 $0xFFFFE000  }
0x67: {  	_ =	swait.ge [sflag:s19], $0x2000  }
0x68: {  	[sflag:s19] =	ssyncset.done $0x0  }
0x69: {  	[sflag:s19] =	ssyncadd.s32 $0xFFFFE000  }
0x6a: {  	_ =	swait.ge [sflag:s19], $0x2000  }
0x6b: {  	[sflag:s19] =	ssyncset.done $0x0  }
0x6c: {  	[sflag:s19] =	ssyncadd.s32 $0xFFFFE000  }
0x6d: {  	_ =	swait.ge [sflag:s19], $0x2000  }
0x6e: {  	[sflag:s19] =	ssyncset.done $0x0  }
0x6f: {  	[sflag:s19] =	ssyncadd.s32 $0xFFFFE000  }
0x70: {  	_ =	swait.ge [sflag:s19], $0x2000  }
0x71: {  	s24 =	rddreg [dreg:$0x3];
	[sflag:s19] =	ssyncset.done $0x0  }
0x72: {  	s25 =	rddreg [dreg:$0x7];
	[sflag:s19] =	ssyncadd.s32 $0xFFFFE000;
	s23 =	sadd.s32 $0x0, s24  }
0x73: {  	[hbm4b:s23+s2] =	stream.linear.scatter [tilespmem:s13], [sflag:$0x4], $0x2000, $0x38;
	[tilespmem:$0x1A400] =	vst v63  }
0x74: {  	p6 =	por $0x0, $0x0;
	s26 =	rddreg [dreg:$0x6];
	s24 =	sadd.s32 $0x0, s25  }
0x75: {  	[hbm4b:s24+s2] =	stream.linear.scatter [tilespmem:s14], [sflag:$0x4], $0x2000, $0x38;
	[tilespmem:$0x1A400] =	vst v63  }
0x76: {  	p0 =	por p6, p6;
	s29 =	rddreg [dreg:$0x5];
	s30 =	sadd.s32 $0x0, s26  }
0x77: {  	[hbm4b:s30+s2] =	stream.linear.scatter [tilespmem:s15], [sflag:$0x4], $0x2000, $0x38;
	[tilespmem:$0x1A400] =	vst v63  }
0x78: {  	s31 =	rddreg [dreg:$0x4];
	s25 =	simm.s32 $0x5000;
	s23 =	sadd.s32 $0x0, s29  }
0x79: {  	[hbm4b:s23+s2] =	stream.linear.scatter [tilespmem:s16], [sflag:$0x4], $0x2000, $0x38;
	[tilespmem:$0x1A400] =	vst v63  }
0x7a: {  	s28 =	sadd.s32 $0x0, s31;
	s24 =	simm.s32 $0x980;
	s23 =	simm.s32 $0x2800  }
.LBB2_2:
0x7b: {  	[hbm4b:s28+s2] =	stream.linear.scatter [tilespmem:s17], [sflag:$0x4], $0x2000, $0x38;
	[tilespmem:$0x1A400] =	vst v63  }
0x7c: {  	s28 =	simm.s32 @!p0 $0x3  }
0x7d: {  	_ =	swait.ge @!p0 [sflag:s28], $0x2000  }
0x7e: {  	[sflag:s28] =	ssyncset.done @!p0 $0x0  }
0x7f: {  	[sflag:s28] =	ssyncadd.s32 @!p0 $0xFFFFE000  }
0x80: {  	_ =	swait.ge @!p0 [sflag:s28], $0x2000  }
0x81: {  	[sflag:s28] =	ssyncset.done @!p0 $0x0  }
0x82: {  	[sflag:s28] =	ssyncadd.s32 @!p0 $0xFFFFE000  }
0x83: {  	_ =	swait.ge @!p0 [sflag:s28], $0x2000  }
0x84: {  	[sflag:s28] =	ssyncset.done @!p0 $0x0  }
0x85: {  	[sflag:s28] =	ssyncadd.s32 @!p0 $0xFFFFE000  }
0x86: {  	_ =	swait.ge @!p0 [sflag:s28], $0x2000  }
0x87: {  	[sflag:s28] =	ssyncset.done @!p0 $0x0  }
0x88: {  	[sflag:s28] =	ssyncadd.s32 @!p0 $0xFFFFE000  }
0x89: {  	_ =	swait.ge @!p0 [sflag:s28], $0x2000  }
0x8a: {  	[sflag:s28] =	ssyncset.done @!p0 $0x0  }
0x8b: {  	[sflag:s28] =	ssyncadd.s32 @!p0 $0xFFFFE000;
	s28 =	simm.s32 @!p0 $0x4  }
0x8c: {  	_ =	swait.ge @!p0 [sflag:s28], $0x2000  }
0x8d: {  	[sflag:s28] =	ssyncset.done @!p0 $0x0  }
0x8e: {  	[sflag:s28] =	ssyncadd.s32 @!p0 $0xFFFFE000  }
0x8f: {  	_ =	swait.ge @!p0 [sflag:s28], $0x2000  }
0x90: {  	[sflag:s28] =	ssyncset.done @!p0 $0x0  }
0x91: {  	[sflag:s28] =	ssyncadd.s32 @!p0 $0xFFFFE000  }
0x92: {  	_ =	swait.ge @!p0 [sflag:s28], $0x2000  }
0x93: {  	[sflag:s28] =	ssyncset.done @!p0 $0x0  }
0x94: {  	[sflag:s28] =	ssyncadd.s32 @!p0 $0xFFFFE000  }
0x95: {  	_ =	swait.ge @!p0 [sflag:s28], $0x2000  }
0x96: {  	[sflag:s28] =	ssyncset.done @!p0 $0x0  }
0x97: {  	[sflag:s28] =	ssyncadd.s32 @!p0 $0xFFFFE000  }
0x98: {  	_ =	swait.ge @!p0 [sflag:s28], $0x2000  }
0x99: {  	[sflag:s28] =	ssyncset.done @!p0 $0x0  }
0x9a: {  	[sflag:s28] =	ssyncadd.s32 @!p0 $0xFFFFE000;
	s28 =	sadd.s32 $0xFFFFFB80, s24  }
0x9b: {  	[tilespmem:s8], [sflag:$0x1] =	stream.indirect.gather [hbm4b:s3+s7], $0x40, s28, s7, $0xb8;
	[tilespmem:$0x1A400] =	vst v63  }
0x9c: {  	s28 =	sadd.s32 $0xFFFFFC00, s24  }
0x9d: {  	[tilespmem:s9], [sflag:$0x1] =	stream.indirect.gather [hbm4b:s3+s7], $0x40, s28, s7, $0xb8;
	[tilespmem:$0x1A400] =	vst v63  }
0x9e: {  	s28 =	sadd.s32 $0xFFFFFC80, s24  }
0x9f: {  	[tilespmem:s10], [sflag:$0x1] =	stream.indirect.gather [hbm4b:s3+s7], $0x40, s28, s7, $0xb8;
	[tilespmem:$0x1A400] =	vst v63  }
0xa0: {  	s28 =	sadd.s32 $0xFFFFFD00, s24  }
0xa1: {  	[tilespmem:s11], [sflag:$0x1] =	stream.indirect.gather [hbm4b:s3+s7], $0x40, s28, s7, $0xb8;
	[tilespmem:$0x1A400] =	vst v63  }
0xa2: {  	s28 =	sadd.s32 $0xFFFFFD80, s24  }
0xa3: {  	[tilespmem:s12], [sflag:$0x1] =	stream.indirect.gather [hbm4b:s3+s7], $0x40, s28, s7, $0xb8;
	[tilespmem:$0x1A400] =	vst v63  }
0xa4: {  	s28 =	sadd.s32 $0xFFFFFE00, s24  }
0xa5: {  	[tilespmem:s13], [sflag:$0x2] =	stream.indirect.gather [hbm4b:s3+s7], $0x40, s28, s7, $0xb8;
	[tilespmem:$0x1A400] =	vst v63  }
0xa6: {  	s28 =	sadd.s32 $0xFFFFFE80, s24  }
0xa7: {  	[tilespmem:s14], [sflag:$0x2] =	stream.indirect.gather [hbm4b:s3+s7], $0x40, s28, s7, $0xb8;
	[tilespmem:$0x1A400] =	vst v63  }
0xa8: {  	s28 =	sadd.s32 $0xFFFFFF00, s24  }
0xa9: {  	[tilespmem:s15], [sflag:$0x2] =	stream.indirect.gather [hbm4b:s3+s7], $0x40, s28, s7, $0xb8;
	[tilespmem:$0x1A400] =	vst v63  }
0xaa: {  	s28 =	sadd.s32 $0xFFFFFF80, s24  }
0xab: {  	[tilespmem:s16], [sflag:$0x2] =	stream.indirect.gather [hbm4b:s3+s7], $0x40, s28, s7, $0xb8;
	[tilespmem:$0x1A400] =	vst v63  }
0xac: {  	_ = 	snop  }
0xad: {  	[tilespmem:s17], [sflag:$0x2] =	stream.indirect.gather [hbm4b:s3+s7], $0x40, s24, s7, $0xb8;
	[tilespmem:$0x1A400] =	vst v63  }
0xae: {  	_ =	swait.ge [sflag:s18], $0x2000  }
0xaf: {  	[sflag:s18] =	ssyncset.done $0x0  }
0xb0: {  	[sflag:s18] =	ssyncadd.s32 $0xFFFFE000  }
0xb1: {  	_ =	swait.ge [sflag:s18], $0x2000  }
0xb2: {  	[sflag:s18] =	ssyncset.done $0x0  }
0xb3: {  	[sflag:s18] =	ssyncadd.s32 $0xFFFFE000  }
0xb4: {  	_ =	swait.ge [sflag:s18], $0x2000  }
0xb5: {  	[sflag:s18] =	ssyncset.done $0x0  }
0xb6: {  	[sflag:s18] =	ssyncadd.s32 $0xFFFFE000  }
0xb7: {  	_ =	swait.ge [sflag:s18], $0x2000  }
0xb8: {  	[sflag:s18] =	ssyncset.done $0x0  }
0xb9: {  	[sflag:s18] =	ssyncadd.s32 $0xFFFFE000  }
0xba: {  	_ =	swait.ge [sflag:s18], $0x2000  }
0xbb: {  	s28 =	rddreg [dreg:$0x8];
	[sflag:s18] =	ssyncset.done $0x0  }
0xbc: {  	s29 =	rddreg [dreg:$0xc];
	[sflag:s18] =	ssyncadd.s32 $0xFFFFE000;
	s28 =	sadd.s32 s23, s28  }
0xbd: {  	[hbm4b:s28+s2] =	stream.linear.scatter [tilespmem:s8], [sflag:$0x3], $0x2000, $0x38;
	[tilespmem:$0x1A400] =	vst v63  }
0xbe: {  	s30 =	rddreg [dreg:$0xb];
	s28 =	sadd.s32 s23, s29  }
0xbf: {  	[hbm4b:s28+s2] =	stream.linear.scatter [tilespmem:s9], [sflag:$0x3], $0x2000, $0x38;
	[tilespmem:$0x1A400] =	vst v63  }
0xc0: {  	s29 =	rddreg [dreg:$0xa];
	s28 =	sadd.s32 s23, s30  }
0xc1: {  	[hbm4b:s28+s2] =	stream.linear.scatter [tilespmem:s10], [sflag:$0x3], $0x2000, $0x38;
	[tilespmem:$0x1A400] =	vst v63  }
0xc2: {  	s31 =	rddreg [dreg:$0x9];
	s28 =	sadd.s32 s23, s29  }
0xc3: {  	[hbm4b:s28+s2] =	stream.linear.scatter [tilespmem:s11], [sflag:$0x3], $0x2000, $0x38;
	[tilespmem:$0x1A400] =	vst v63  }
0xc4: {  	s28 =	sadd.s32 s23, s31  }
0xc5: {  	[hbm4b:s28+s2] =	stream.linear.scatter [tilespmem:s12], [sflag:$0x3], $0x2000, $0x38;
	[tilespmem:$0x1A400] =	vst v63  }
0xc6: {  	_ =	swait.ge [sflag:s19], $0x2000  }
0xc7: {  	[sflag:s19] =	ssyncset.done $0x0  }
0xc8: {  	[sflag:s19] =	ssyncadd.s32 $0xFFFFE000  }
0xc9: {  	_ =	swait.ge [sflag:s19], $0x2000  }
0xca: {  	[sflag:s19] =	ssyncset.done $0x0  }
0xcb: {  	[sflag:s19] =	ssyncadd.s32 $0xFFFFE000  }
0xcc: {  	_ =	swait.ge [sflag:s19], $0x2000  }
0xcd: {  	[sflag:s19] =	ssyncset.done $0x0  }
0xce: {  	[sflag:s19] =	ssyncadd.s32 $0xFFFFE000  }
0xcf: {  	_ =	swait.ge [sflag:s19], $0x2000  }
0xd0: {  	[sflag:s19] =	ssyncset.done $0x0  }
0xd1: {  	[sflag:s19] =	ssyncadd.s32 $0xFFFFE000  }
0xd2: {  	s26 =	smov.u32 s25;
	s25 =	sadd.s32 $0x2800, s25;
	_ =	swait.ge [sflag:s19], $0x2000  }
0xd3: {  	p2 =	seq.s32 s26, $0x0;
	s28 =	rddreg [dreg:$0x3];
	[sflag:s19] =	ssyncset.done $0x0  }
0xd4: {  	s29 =	rddreg [dreg:$0x7];
	[sflag:s19] =	ssyncadd.s32 $0xFFFFE000;
	s28 =	sadd.s32 s23, s28  }
0xd5: {  	[hbm4b:s28+s2] =	stream.linear.scatter [tilespmem:s13], [sflag:$0x4], $0x2000, $0x38;
	[tilespmem:$0x1A400] =	vst v63  }
0xd6: {  	p1 =	sne.s32 s25, $0x32000;
	s30 =	rddreg [dreg:$0x6];
	s28 =	sadd.s32 s23, s29  }
0xd7: {  	[hbm4b:s28+s2] =	stream.linear.scatter [tilespmem:s14], [sflag:$0x4], $0x2000, $0x38;
	[tilespmem:$0x1A400] =	vst v63  }
.Ltmp0:
0xd8: {  	s31 =	rddreg [dreg:$0x5];
	s28 =	sadd.s32 s23, s30;
	(pc) =	sbr.rel @p1 .LBB2_2-.Ltmp0, $4  }
0xd9: {  	[hbm4b:s28+s2] =	stream.linear.scatter [tilespmem:s15], [sflag:$0x4], $0x2000, $0x38;
	[tilespmem:$0x1A400] =	vst v63  }
0xda: {  	p0 =	por p2, p2;
	s29 =	rddreg [dreg:$0x4];
	s28 =	sadd.s32 s23, s31  }
0xdb: {  	[hbm4b:s28+s2] =	stream.linear.scatter [tilespmem:s16], [sflag:$0x4], $0x2000, $0x38;
	[tilespmem:$0x1A400] =	vst v63  }
0xdc: {  	s24 =	sadd.s32 $0x500, s24;
	s28 =	sadd.s32 s23, s29;
	s23 =	smov.u32 s26  }
0xdd: {  	[hbm4b:s28+s2] =	stream.linear.scatter [tilespmem:s17], [sflag:$0x4], $0x2000, $0x38;
	[tilespmem:$0x1A400] =	vst v63  }
0xde: {  	s25 =	simm.s32 @!p0 $0x3  }
0xdf: {  	_ =	swait.ge @!p0 [sflag:s25], $0x2000  }
0xe0: {  	[sflag:s25] =	ssyncset.done @!p0 $0x0  }
0xe1: {  	[sflag:s25] =	ssyncadd.s32 @!p0 $0xFFFFE000  }
0xe2: {  	_ =	swait.ge @!p0 [sflag:s25], $0x2000  }
0xe3: {  	[sflag:s25] =	ssyncset.done @!p0 $0x0  }
0xe4: {  	[sflag:s25] =	ssyncadd.s32 @!p0 $0xFFFFE000  }
0xe5: {  	_ =	swait.ge @!p0 [sflag:s25], $0x2000  }
0xe6: {  	[sflag:s25] =	ssyncset.done @!p0 $0x0  }
0xe7: {  	[sflag:s25] =	ssyncadd.s32 @!p0 $0xFFFFE000  }
0xe8: {  	_ =	swait.ge @!p0 [sflag:s25], $0x2000  }
0xe9: {  	[sflag:s25] =	ssyncset.done @!p0 $0x0  }
0xea: {  	[sflag:s25] =	ssyncadd.s32 @!p0 $0xFFFFE000  }
0xeb: {  	_ =	swait.ge @!p0 [sflag:s25], $0x2000  }
0xec: {  	[sflag:s25] =	ssyncset.done @!p0 $0x0  }
0xed: {  	[sflag:s25] =	ssyncadd.s32 @!p0 $0xFFFFE000;
	s25 =	simm.s32 @!p0 $0x4  }
0xee: {  	_ =	swait.ge @!p0 [sflag:s25], $0x2000  }
0xef: {  	[sflag:s25] =	ssyncset.done @!p0 $0x0  }
0xf0: {  	[sflag:s25] =	ssyncadd.s32 @!p0 $0xFFFFE000  }
0xf1: {  	_ =	swait.ge @!p0 [sflag:s25], $0x2000  }
0xf2: {  	[sflag:s25] =	ssyncset.done @!p0 $0x0  }
0xf3: {  	[sflag:s25] =	ssyncadd.s32 @!p0 $0xFFFFE000  }
0xf4: {  	_ =	swait.ge @!p0 [sflag:s25], $0x2000  }
0xf5: {  	[sflag:s25] =	ssyncset.done @!p0 $0x0  }
0xf6: {  	[sflag:s25] =	ssyncadd.s32 @!p0 $0xFFFFE000  }
0xf7: {  	_ =	swait.ge @!p0 [sflag:s25], $0x2000  }
0xf8: {  	[sflag:s25] =	ssyncset.done @!p0 $0x0  }
0xf9: {  	[sflag:s25] =	ssyncadd.s32 @!p0 $0xFFFFE000  }
0xfa: {  	_ =	swait.ge @!p0 [sflag:s25], $0x2000  }
0xfb: {  	[sflag:s25] =	ssyncset.done @!p0 $0x0  }
0xfc: {  	s29 =	sadd.s32 $0xFFFFFB80, s24;
	[sflag:s25] =	ssyncadd.s32 @!p0 $0xFFFFE000  }
0xfd: {  	[tilespmem:s8], [sflag:$0x1] =	stream.indirect.gather [hbm4b:s3+s7], $0x40, s29, s7, $0xb8;
	[tilespmem:$0x1A400] =	vst v63  }
0xfe: {  	s30 =	sadd.s32 $0xFFFFFC00, s24  }
0xff: {  	[tilespmem:s9], [sflag:$0x1] =	stream.indirect.gather [hbm4b:s3+s7], $0x40, s30, s7, $0xb8;
	[tilespmem:$0x1A400] =	vst v63  }
0x100: {  	s31 =	sadd.s32 $0xFFFFFC80, s24  }
0x101: {  	[tilespmem:s10], [sflag:$0x1] =	stream.indirect.gather [hbm4b:s3+s7], $0x40, s31, s7, $0xb8;
	[tilespmem:$0x1A400] =	vst v63  }
0x102: {  	s26 =	sadd.s32 $0xFFFFFD00, s24  }
0x103: {  	[tilespmem:s11], [sflag:$0x1] =	stream.indirect.gather [hbm4b:s3+s7], $0x40, s26, s7, $0xb8;
	[tilespmem:$0x1A400] =	vst v63  }
0x104: {  	s28 =	sadd.s32 $0xFFFFFD80, s24  }
0x105: {  	[tilespmem:s12], [sflag:$0x1] =	stream.indirect.gather [hbm4b:s3+s7], $0x40, s28, s7, $0xb8;
	[tilespmem:$0x1A400] =	vst v63  }
0x106: {  	s29 =	sadd.s32 $0xFFFFFE00, s24  }
0x107: {  	[tilespmem:s13], [sflag:$0x2] =	stream.indirect.gather [hbm4b:s3+s7], $0x40, s29, s7, $0xb8;
	[tilespmem:$0x1A400] =	vst v63  }
0x108: {  	s30 =	sadd.s32 $0xFFFFFE80, s24  }
0x109: {  	[tilespmem:s14], [sflag:$0x2] =	stream.indirect.gather [hbm4b:s3+s7], $0x40, s30, s7, $0xb8;
	[tilespmem:$0x1A400] =	vst v63  }
0x10a: {  	s31 =	sadd.s32 $0xFFFFFF00, s24  }
0x10b: {  	[tilespmem:s15], [sflag:$0x2] =	stream.indirect.gather [hbm4b:s3+s7], $0x40, s31, s7, $0xb8;
	[tilespmem:$0x1A400] =	vst v63  }
0x10c: {  	s26 =	sadd.s32 $0xFFFFFF80, s24  }
0x10d: {  	[tilespmem:s16], [sflag:$0x2] =	stream.indirect.gather [hbm4b:s3+s7], $0x40, s26, s7, $0xb8;
	[tilespmem:$0x1A400] =	vst v63  }
0x10e: {  	_ = 	snop  }
0x10f: {  	[tilespmem:s17], [sflag:$0x2] =	stream.indirect.gather [hbm4b:s3+s7], $0x40, s24, s7, $0xb8;
	[tilespmem:$0x1A400] =	vst v63  }
0x110: {  	_ =	swait.ge [sflag:s18], $0x2000  }
0x111: {  	[sflag:s18] =	ssyncset.done $0x0  }
0x112: {  	[sflag:s18] =	ssyncadd.s32 $0xFFFFE000  }
0x113: {  	_ =	swait.ge [sflag:s18], $0x2000  }
0x114: {  	[sflag:s18] =	ssyncset.done $0x0  }
0x115: {  	[sflag:s18] =	ssyncadd.s32 $0xFFFFE000  }
0x116: {  	_ =	swait.ge [sflag:s18], $0x2000  }
0x117: {  	[sflag:s18] =	ssyncset.done $0x0  }
0x118: {  	[sflag:s18] =	ssyncadd.s32 $0xFFFFE000  }
0x119: {  	_ =	swait.ge [sflag:s18], $0x2000  }
0x11a: {  	[sflag:s18] =	ssyncset.done $0x0  }
0x11b: {  	[sflag:s18] =	ssyncadd.s32 $0xFFFFE000  }
0x11c: {  	_ =	swait.ge [sflag:s18], $0x2000  }
0x11d: {  	s28 =	rddreg [dreg:$0x8];
	[sflag:s18] =	ssyncset.done $0x0  }
0x11e: {  	s29 =	rddreg [dreg:$0xc];
	[sflag:s18] =	ssyncadd.s32 $0xFFFFE000;
	s24 =	sadd.s32 s23, s28  }
0x11f: {  	[hbm4b:s24+s2] =	stream.linear.scatter [tilespmem:s8], [sflag:$0x3], $0x2000, $0x38;
	[tilespmem:$0x1A400] =	vst v63  }
0x120: {  	s26 =	rddreg [dreg:$0xb];
	s30 =	sadd.s32 s23, s29  }
0x121: {  	[hbm4b:s30+s2] =	stream.linear.scatter [tilespmem:s9], [sflag:$0x3], $0x2000, $0x38;
	[tilespmem:$0x1A400] =	vst v63  }
0x122: {  	s31 =	rddreg [dreg:$0xa];
	s28 =	sadd.s32 s23, s26  }
0x123: {  	[hbm4b:s28+s2] =	stream.linear.scatter [tilespmem:s10], [sflag:$0x3], $0x2000, $0x38;
	[tilespmem:$0x1A400] =	vst v63  }
0x124: {  	s29 =	rddreg [dreg:$0x9];
	s30 =	sadd.s32 s23, s31  }
0x125: {  	[hbm4b:s30+s2] =	stream.linear.scatter [tilespmem:s11], [sflag:$0x3], $0x2000, $0x38;
	[tilespmem:$0x1A400] =	vst v63  }
0x126: {  	s31 =	sadd.s32 s23, s29  }
0x127: {  	[hbm4b:s31+s2] =	stream.linear.scatter [tilespmem:s12], [sflag:$0x3], $0x2000, $0x38;
	[tilespmem:$0x1A400] =	vst v63  }
0x128: {  	_ =	swait.ge [sflag:s19], $0x2000  }
0x129: {  	[sflag:s19] =	ssyncset.done $0x0  }
0x12a: {  	[sflag:s19] =	ssyncadd.s32 $0xFFFFE000  }
0x12b: {  	_ =	swait.ge [sflag:s19], $0x2000  }
0x12c: {  	[sflag:s19] =	ssyncset.done $0x0  }
0x12d: {  	[sflag:s19] =	ssyncadd.s32 $0xFFFFE000  }
0x12e: {  	_ =	swait.ge [sflag:s19], $0x2000  }
0x12f: {  	[sflag:s19] =	ssyncset.done $0x0  }
0x130: {  	[sflag:s19] =	ssyncadd.s32 $0xFFFFE000  }
0x131: {  	_ =	swait.ge [sflag:s19], $0x2000  }
0x132: {  	[sflag:s19] =	ssyncset.done $0x0  }
0x133: {  	[sflag:s19] =	ssyncadd.s32 $0xFFFFE000  }
0x134: {  	_ =	swait.ge [sflag:s19], $0x2000  }
0x135: {  	s25 =	rddreg [dreg:$0x3];
	[sflag:s19] =	ssyncset.done $0x0  }
0x136: {  	s26 =	rddreg [dreg:$0x7];
	[sflag:s19] =	ssyncadd.s32 $0xFFFFE000;
	s24 =	sadd.s32 s23, s25  }
0x137: {  	[hbm4b:s24+s2] =	stream.linear.scatter [tilespmem:s13], [sflag:$0x4], $0x2000, $0x38;
	[tilespmem:$0x1A400] =	vst v63  }
0x138: {  	s28 =	rddreg [dreg:$0x6];
	s25 =	sadd.s32 s23, s26  }
0x139: {  	[hbm4b:s25+s2] =	stream.linear.scatter [tilespmem:s14], [sflag:$0x4], $0x2000, $0x38;
	[tilespmem:$0x1A400] =	vst v63  }
0x13a: {  	s29 =	rddreg [dreg:$0x5];
	s26 =	sadd.s32 s23, s28  }
0x13b: {  	[hbm4b:s26+s2] =	stream.linear.scatter [tilespmem:s15], [sflag:$0x4], $0x2000, $0x38;
	[tilespmem:$0x1A400] =	vst v63  }
0x13c: {  	s30 =	rddreg [dreg:$0x4];
	s24 =	sadd.s32 s23, s29  }
0x13d: {  	[hbm4b:s24+s2] =	stream.linear.scatter [tilespmem:s16], [sflag:$0x4], $0x2000, $0x38;
	[tilespmem:$0x1A400] =	vst v63  }
0x13e: {  	s31 =	sadd.s32 s23, s30  }
0x13f: {  	[hbm4b:s31+s2] =	stream.linear.scatter [tilespmem:s17], [sflag:$0x4], $0x2000, $0x38;
	[tilespmem:$0x1A400] =	vst v63  }
0x140: {  	_ =	swait.ge [sflag:s20], $0x2000  }
0x141: {  	[sflag:s20] =	ssyncset.done $0x0  }
0x142: {  	[sflag:s20] =	ssyncadd.s32 $0xFFFFE000  }
0x143: {  	_ =	swait.ge [sflag:s20], $0x2000  }
0x144: {  	[sflag:s20] =	ssyncset.done $0x0  }
0x145: {  	[sflag:s20] =	ssyncadd.s32 $0xFFFFE000  }
0x146: {  	_ =	swait.ge [sflag:s20], $0x2000  }
0x147: {  	[sflag:s20] =	ssyncset.done $0x0  }
0x148: {  	[sflag:s20] =	ssyncadd.s32 $0xFFFFE000  }
0x149: {  	_ =	swait.ge [sflag:s20], $0x2000  }
0x14a: {  	[sflag:s20] =	ssyncset.done $0x0  }
0x14b: {  	[sflag:s20] =	ssyncadd.s32 $0xFFFFE000  }
0x14c: {  	_ =	swait.ge [sflag:s20], $0x2000  }
0x14d: {  	[sflag:s20] =	ssyncset.done $0x0  }
0x14e: {  	[sflag:s20] =	ssyncadd.s32 $0xFFFFE000  }
0x14f: {  	_ =	swait.ge [sflag:s21], $0x2000  }
0x150: {  	[sflag:s21] =	ssyncset.done $0x0  }
0x151: {  	[sflag:s21] =	ssyncadd.s32 $0xFFFFE000  }
0x152: {  	_ =	swait.ge [sflag:s21], $0x2000  }
0x153: {  	[sflag:s21] =	ssyncset.done $0x0  }
0x154: {  	[sflag:s21] =	ssyncadd.s32 $0xFFFFE000  }
0x155: {  	_ =	swait.ge [sflag:s21], $0x2000  }
0x156: {  	[sflag:s21] =	ssyncset.done $0x0  }
0x157: {  	s22 =	sadd.s32 $0x1, s22;
	[sflag:s21] =	ssyncadd.s32 $0xFFFFE000  }
0x158: {  	p0 =	sne.s32 s22, s5;
	_ =	swait.ge [sflag:s21], $0x2000  }
.Ltmp1:
0x159: {  	[sflag:s21] =	ssyncset.done $0x0;
	(pc) =	sbr.rel @p0 .LBB2_1-.Ltmp1, $4  }
0x15a: {  	[sflag:s21] =	ssyncadd.s32 $0xFFFFE000  }
0x15b: {  	_ =	swait.ge [sflag:s21], $0x2000  }
0x15c: {  	[sflag:s21] =	ssyncset.done $0x0  }
0x15d: {  	[sflag:s21] =	ssyncadd.s32 $0xFFFFE000  }
0x15e: {  	_ =	sfence.sel $0x180000  }
0x15f: {  	[bflag:$0x0] =	sbarrier.arrive $0xFFFF  }
0x160: {  	p0 =	sne.s32 s0, $0x0;
	_ =	strace $0x90000047  }
0x161: {  	s0 =	sadd.s32 @!p0 $0x100000, s1;
	[bflag:$0x2] =	sbarrier.arrive $0xFFFF  }
0x162: {  	[sflag:s0] =	ssyncadd.tile.s32 @!p0 $0x1;
	_ =	shalt  }
.Lfunc_end2:
_tile_overlayer_lowered:
.L_overlay_start_2:
0x163: {  	(tag) =	ssettag $0x2  }
0x164: {  	s0 =	rddreg [dreg:$0x0];
	s2 =	stileid.u32  }
0x165: {  	s1 =	rddreg [dreg:$0x1];
	p0 =	sne.s32 s2, $0x0  }
0x166: {  	s3 =	rddreg [dreg:$0x2];
	[bflag:$0x3] =	sbarrier.arrive $0xFFFF;
	s2 =	simm.s32 @!p0 $0x1C05  }
0x167: {  	[timem:s3], [sflag:s2] =	dma.local @!p0 [hbm:s0], s1  }
0x168: {  	s0 =	simm.s32 @!p0 $0x5  }
0x169: {  	_ =	swait.ge @!p0 [sflag:s0], s1  }
0x16a: {  	s1 =	ssub.s32 @!p0 $0x0, s1;
	[sflag:s0] =	ssyncset.done @!p0 $0x0  }
0x16b: {  	[sflag:s0] =	ssyncadd.s32 @!p0 s1  }
0x16c: {  	[bflag:$0x3] =	sbarrier.arrive $0xFFFF  }
0x16d: {  	_ =	shalt  }

// kernel: sparse-core-data-format-call.cloned.1.call-start
scs
called_computation_lowered:
.L_overlay_start_0:
0x0: {  	s2 =	sld [smem:$0x3FD9]  }
0x1: {  	s3 =	sld [smem:$0x3FFE];
	_ =	sdelay $0x1  }
0x2: {  	s1 =	srdreg.scid  }
0x3: {  	s0 =	sand.u32 $0x1, s1  }
0x4: {  	s18 =	sshll.u32 s0, $0xA;
	s2 =	sadd.s32 s3, s2  }
0x5: {  	s2 =	sadd.s32 s2, s18  }
0x6: {  	[smem:$0x3FC6] =	sst s2  }
0x7: {  	_ = 	snop  }
0x8: {  	s2 =	sld [smem:$0x3FD0];
	(tm) =	ssettm $0x1  }
0x9: {  	s19 =	sld [smem:$0x3FFB];
	_ =	sdelay $0x3  }
0xa: {  	_ =	strace s19  }
0xb: {  	s3 =	sld [smem:$0x3FFC];
	_ =	sdelay $0x3  }
0xc: {  	_ =	strace s3  }
0xd: {  	s3 =	sld [smem:$0x3FFD];
	_ =	sdelay $0x3  }
0xe: {  	_ =	strace s3  }
0xf: {  	_ =	strace $0x8FFFFFFF  }
0x10: {  	s20 =	sld [smem:$0x3FDB];
	_ =	sdelay $0x1  }
0x11: {  	s4 =	simm.s32 $_scs_section_size  }
0x12: {  	s5 =	simm.s32 $_size__tile_overlayer_lowered;
	s6 =	simm.s32 $_tile_overlayer_lowered  }
0x13: {  	s23 =	simm.s32 $0x1BFF;
	s22 =	sshll.u32 s6, $0x1;
	s3 =	sadd.s32 s4, s20  }
0x14: {  	s7 =	simm.s32 $0x0;
	s21 =	sshll.u32 s5, $0x1;
	s5 =	sadd.s32 s22, s3  }
0x15: {  	[timem:s7], [sflag:s23] =	dma.local [hbm:s5], s21  }
0x16: {  	_ =	swait.ge [sflag:s23], s21  }
0x17: {  	s4 =	ssub.s32 $0x0, s21;
	[sflag:s23] =	ssyncset.done $0x0  }
0x18: {  	[sflag:s23] =	ssyncadd.s32 s4;
	_ =	sdelay $0x1  }
0x19: {  	s24 =	simm.s32 $0x1B8B  }
0x1a: {  	_ =	swait.ge [sflag:s24], $0x1  }
0x1b: {  	[sflag:s24] =	ssyncset.done $0x0  }
0x1c: {  	s26 =	simm.s32 $0x1B8E;
	s25 =	sld [smem:$0x3FFE];
	[sflag:s24] =	ssyncadd.s32 $0xFFFFFFFF  }
0x1d: {  	s27 =	simm.s32 $execute0_lowered;
	[smem:$0x3FD2] =	sst s26  }
0x1e: {  	s5 =	sshll.u32 s27, $0x1;
	_ =	strace $0x80000049;
	[dreg:$0x1] =	wrdreg $0xFFFFFFFF  }
0x1f: {  	s28 =	simm.s32 $_size_execute0_lowered;
	s3 =	sadd.s32 s3, s5;
	[dreg:$0x0] =	wrdreg $0x0  }
0x20: {  	s5 =	sshll.u32 s28, $0x1;
	[dreg:$0x2] =	wrdreg s3  }
0x21: {  	[dreg:$0x3] =	wrdreg s5  }
0x22: {  	[dreg:$0x4] =	wrdreg $0xC0  }
0x23: {  	_ =	task [dreg:s7], $0x5FFFF  }
0x24: {  	[dreg:$0x1] =	wrdreg $0xFFFFFFFF  }
0x25: {  	[dreg:$0x0] =	wrdreg $0x60  }
0x26: {  	[dreg:$0x2] =	wrdreg s25  }
0x27: {  	[dreg:$0x3] =	wrdreg s2  }
0x28: {  	[dreg:$0x4] =	wrdreg $0x9  }
0x29: {  	_ =	task.clear_ibuf [dreg:s7], $0x5FFFF;
	_ =	strace $0x90000049  }
0x2a: {  	s29 =	simm.s32 $0x9;
	_ =	strace $0x8000004B  }
0x2b: {  	_ =	swait.ge [sflag:s29], $0x1  }
0x2c: {  	[sflag:s29] =	ssyncadd.s32 $0xFFFFFFFF  }
0x2d: {  	_ =	strace $0x9000004B  }
0x2e: {  	_ =	sfence  }
0x2f: {  	s30 =	sld [smem:$0x0];
	_ =	sdelay $0x2  }
0x30: {  	s31 =	sshll.u32 s1, $0xD;
	s1 =	sshrl.u32 s1, $0x2  }
0x31: {  	s3 =	sand.u32 $0x4000, s31;
	s1 =	sadd.s32 s1, s30  }
0x32: {  	s0 =	sor.u32 s3, s0;
	s1 =	sshll.u32 s1, $0x11  }
0x33: {  	s0 =	sor.u32 s1, s0  }
0x34: {  	s0 =	sadd.s32 $0x8F2B, s0  }
0x35: {  	[sflag:s0] =	ssyncadd.remote.s32 $0x1  }
0x36: {  	_ =	sfence.sel $0xFFFF  }
0x37: {  	[dreg:$0x0] =	wrdreg $0xFFFFFFFF;
	(pc) =	sbr.abs _section_cstart, $3  }
0x38: {  	[dreg:$0x1] =	wrdreg $0xFFFFFFFF  }
0x39: {  	_ =	task.clear_ibuf [dreg:s7], $0x2FFFF;
	_ =	strace $0x9FFFFFFF  }
0x3a: {  	(tm) =	ssettm $0x7FFFFFFF  }
0x3b: {  	_ =	shalt  }
tec
execute0_lowered:
.L_overlay_start_1:
0x0: {  	(tag) =	ssettag $0x1  }
0x1: {  	s0 =	srdreg.scid  }
0x2: {  	s1 =	sshll.u32 s0, $0x4  }
0x3: {  	s0 =	stileid.u32;
	s1 =	sand.u32 $0x10, s1  }
0x4: {  	s1 =	sor.u32 s0, s1  }
0x5: {  	s6 =	rddreg [dreg:$0x0];
	s4 =	simm.s32 $0x1;
	s2 =	sshll.u32 s1, $0x7  }
0x6: {  	s7 =	simm.s32 $0x2;
	s12 =	simm.s32 $0x0;
	s1 =	ssub.s32 $0x1000, s2  }
0x7: {  	s8 =	simm.s32 $0x8000;
	s13 =	simm.s32 $0x0;
	s3 =	sand.u32 $0xF80, s1  }
0x8: {  	s9 =	simm.s32 $0x0;
	s5 =	sshrl.u32 s1, $0xC;
	p0 =	sne.s32 s3, $0x0  }
.Ltmp0:
0x9: {  	s1 =	rddreg [dreg:$0x2];
	s4 =	simm.s32 @!p0 $0x0;
	(pc) =	sbr.rel .LBB1_1-.Ltmp0, $4  }
0xa: {  	s11 =	simm.s32 $0x0;
	s3 =	rddreg [dreg:$0x1];
	s5 =	sadd.s32 s4, s5  }
0xb: {  	_ =	strace $0x8000004A;
	s4 =	simm.s32 $0x1;
	s5 =	smul.u32 $0xC8, s5  }
0xc: {  	s6 =	sadd.s32 $0xA00, s6;
	s10 =	smov.u32 s2;
	[sflag:s4] =	ssyncpa.u1 $0x0  }
0xd: {  	p0 =	por $0x0, $0x0;
	[sflag:s7] =	ssyncpa.u1 $0x0;
	s7 =	sor.u32 $0x1, s5  }
.LBB1_4:
0xe: {  	s16 =	sshll.u32 s13, $0x3;
	s17 =	sand.u32 $0x78, s13  }
0xf: {  	s30 =	sand.u32 $0x7E00, s13;
	s12 =	sshll.u32 s12, $0xF;
	s16 =	sand.u32 $0xC00, s16  }
0x10: {  	[tilespmem:s15+$0x810 ss:$0x81] =	vst.msk $0xffff, v2;
	s31 =	sand.u32 $0x7, s13;
	s16 =	sor.u32 s17, s16;
	s17 =	sadd.s32 s3, s30  }
0x11: {  	[tilespmem:s15+$0x1020 ss:$0x81] =	vst.msk $0xffff, v0;
	s13 =	sshll.u32 s31, $0x12;
	s12 =	sadd.s32 s12, s17;
	s16 =	sshrl.u32 s16, $0x3  }
0x12: {  	[tilespmem:s15+$0x0 ss:$0x81] =	vst.msk $0xffff, v1;
	s13 =	sor.u32 $0x400, s13;
	s12 =	sadd.s32 s16, s12  }
0x13: {  	[hbm4b:s12+s13] =	stream.strided.scatter [tilespmem:s14], [sflag:$0x2], $0x2000, s8, s13, $0x20;
	[tilespmem:$0x8080] =	vst v63  }
.LBB1_5:
0x14: {  	s14 =	sadd.s32 $0x1, s9  }
0x15: {  	s12 =	sadd.s32 $0x1000, s10;
	s16 =	smov.u32 s10;
	p2 =	sgt.s32 s14, $0xC7  }
0x16: {  	s16 =	smov.u32 @p2 s12  }
0x17: {  	s14 =	simm.s32 @p2 $0x0;
	p2 =	sgt.s32 s16, $0xFFF  }
0x18: {  	s16 =	smov.u32 @p2 s2;
	p2 =	sne.s32 s11, s7  }
.Ltmp1:
0x19: {  	p1 =	slt.u32 s11, $0x2;
	(pc) =	sbr.rel @!p2 .LBB1_6-.Ltmp1, $4  }
0x1a: {  	s15 =	simm.s32 @!p1 $0x2  }
0x1b: {  	s13 =	smov.u32 s10;
	p0 =	por !p0, !p0;
	_ =	swait.ge @!p1 [sflag:s15], $0x2000  }
0x1c: {  	s12 =	smov.u32 s9;
	[sflag:s15] =	ssyncset.done @!p1 $0x0;
	s9 =	smov.u32 s14  }
0x1d: {  	s11 =	sadd.s32 $0x1, s11;
	[sflag:s15] =	ssyncadd.s32 @!p1 $0xFFFFE000;
	s10 =	smov.u32 s16  }
.LBB1_1:
0x1e: {  	p1 =	sge.u32 s11, s5  }
0x1f: {  	s14 =	sand.u32 @!p1 $0x1FFFFFF, s9  }
0x20: {  	s15 =	smulhi.u32 @!p1 $0x147AE15, s14;
	_ =	sdelay $0x1  }
0x21: {  	s15 =	smul.u32 @!p1 $0xC8, s15  }
0x22: {  	s16 =	sxor.u32 @!p1 $0xFFFFFFFF, s11;
	s17 =	smul.u32 @!p1 $0xC80, s10  }
0x23: {  	s31 =	sadd.s32 $0xFFFFFFFF, s11;
	s16 =	sshll.u32 @!p1 s16, $0xD;
	s14 =	ssub.s32 @!p1 s14, s15  }
0x24: {  	s15 =	sand.u32 @!p1 $0x2000, s16;
	s16 =	sadd.s32 @!p1 s6, s17;
	s14 =	sshll.u32 @!p1 s14, $0x4  }
0x25: {  	s17 =	simm.s32 @!p1 $0x6400;
	s14 =	sadd.s32 @!p1 s14, s16;
	s16 =	simm.s32 @!p1 $0x40  }
0x26: {  	[tilespmem:s15], [sflag:$0x1] =	stream.strided.gather @!p1 [hbm4b:s14+s16], $0x2000, s17, s16, $0x38;
	[tilespmem:$0x8080] =	vst v63  }
0x27: {  	p1 =	sge.u32 s31, s5  }
.Ltmp2:
0x28: {  	_ = 	snop;
	(pc) =	sbr.rel @p1 .LBB1_5-.Ltmp2, $1  }
0x29: {  	_ =	sdelay $0x3  }
0x2a: {  	s14 =	simm.s32 $0x1  }
0x2b: {  	_ =	swait.ge [sflag:s4], $0x2000;
	s14 =	simm.s32 @!p0 $0x0  }
0x2c: {  	[sflag:s4] =	ssyncset.done $0x0;
	s15 =	sshll.u32 s14, $0xD  }
0x2d: {  	[sflag:s4] =	ssyncadd.s32 $0xFFFFE000;
	s18 =	sor.u32 $0x20, s15  }
0x2e: {  	s14 =	smul.u32 $0x8100, s14;
	v3 =	vld [tilespmem:s18+$0x10]  }
0x2f: {  	s30 =	sand.u32 $0x1, s11;
	v2 =	vld [tilespmem:s18+$0xFFFFFFF0]  }
0x30: {  	s15 =	smul.u32 $0x8100, s30;
	s14 =	sshrl.u32 s14, $0x2;
	v0 =	vld [tilespmem:s18+$0x0]  }
0x31: {  	v1 =	vld [tilespmem:s18+$0xFFFFFFE0];
	s16 =	sor.u32 $0x4000, s14  }
0x32: {  	s31 =	sshrl.u32 s15, $0x2;
	s15 =	sadd.s32 $0x0, s16  }
0x33: {  	s17 =	simm.s32 $0x4;
	s18 =	sadd.s32 $0x40, s18;
	s14 =	sor.u32 $0x4000, s31;
	[tilespmem:s15+$0x1830 ss:$0x81] =	vst.msk $0xffff, v3  }
.LBB1_3:
0x34: {  	v3 =	vld [tilespmem:s18+$0x10];
	p1 =	sne.s32 s17, $0x1FC;
	[tilespmem:s15+$0x810 ss:$0x81] =	vst.msk $0xffff, v2;
	s19 =	smov.u32 s17;
	s17 =	sadd.s32 $0x4, s17  }
.Ltmp3:
0x35: {  	v2 =	vld [tilespmem:s18+$0xFFFFFFF0];
	[tilespmem:s15+$0x1020 ss:$0x81] =	vst.msk $0xffff, v0;
	(pc) =	sbr.rel @p1 .LBB1_3-.Ltmp3, $4  }
0x36: {  	v0 =	vld [tilespmem:s18+$0x0];
	[tilespmem:s15+$0x0 ss:$0x81] =	vst.msk $0xffff, v1  }
0x37: {  	s15 =	sshra.s32 s19, $0x2;
	v1 =	vld [tilespmem:s18+$0xFFFFFFE0]  }
0x38: {  	s15 =	sadd.s32 s15, s16  }
0x39: {  	s18 =	sadd.s32 $0x40, s18;
	[tilespmem:s15+$0x1830 ss:$0x81] =	vst.msk $0xffff, v3  }
.Ltmp4:
0x3a: {  	_ = 	snop;
	(pc) =	sbr.rel .LBB1_4-.Ltmp4, $1  }
0x3b: {  	_ =	sdelay $0x3  }
.LBB1_6:
0x3c: {  	_ =	sfence.sel $0x180000  }
0x3d: {  	s2 =	simm.s32 $0x1;
	[bflag:$0x0] =	sbarrier.arrive $0xFFFF  }
0x3e: {  	s31 =	simm.s32 $0x2;
	[sflag:s2] =	ssyncpa.u1 $0x1  }
0x3f: {  	[sflag:s31] =	ssyncpa.u1 $0x1  }
0x40: {  	p0 =	sne.s32 s0, $0x0;
	_ =	strace $0x9000004A  }
0x41: {  	s0 =	sadd.s32 @!p0 $0x100000, s1;
	[bflag:$0x2] =	sbarrier.arrive $0xFFFF  }
0x42: {  	[sflag:s0] =	ssyncadd.tile.s32 @!p0 $0x1;
	_ =	shalt  }
.Lfunc_end1:
_tile_overlayer_lowered:
.L_overlay_start_2:
0x43: {  	(tag) =	ssettag $0x2  }
0x44: {  	s0 =	rddreg [dreg:$0x0];
	s2 =	stileid.u32  }
0x45: {  	s1 =	rddreg [dreg:$0x1];
	p0 =	sne.s32 s2, $0x0  }
0x46: {  	s3 =	rddreg [dreg:$0x2];
	[bflag:$0x3] =	sbarrier.arrive $0xFFFF;
	s2 =	simm.s32 @!p0 $0x1C01  }
0x47: {  	[timem:s3], [sflag:s2] =	dma.local @!p0 [hbm:s0], s1  }
0x48: {  	s0 =	simm.s32 @!p0 $0x1  }
0x49: {  	_ =	swait.ge @!p0 [sflag:s0], s1  }
0x4a: {  	s1 =	ssub.s32 @!p0 $0x0, s1;
	[sflag:s0] =	ssyncset.done @!p0 $0x0  }
0x4b: {  	[sflag:s0] =	ssyncadd.s32 @!p0 s1  }
0x4c: {  	[bflag:$0x3] =	sbarrier.arrive $0xFFFF  }
0x4d: {  	_ =	shalt  }

</sc_bundles>
